<compile_context>
chip_gen: v7x
topology: tpu7x:2x2x1
jax: 0.10.2.dev20260603
libtpu: 0.0.44.dev20260713+nightly
codegen_flags: <defaults>
</compile_context>

<pallas_src>
import functools

import jax
import jax.numpy as jnp
from jax import lax
from jax.experimental import pallas as pl
from jax.experimental.pallas import tpu as pltpu
from jax.experimental.pallas import tpu_sc as plsc

N = 10000
E = 320000
D = 128

NC = 2
NS = 16
NW = NC * NS
CH = 128
N_PAD = 10240
RPW = N_PAD // NS
EPW = E // NW
NCHUNK = EPW // CH
TAIL = EPW - NCHUNK * CH
BLK = 2560
BLKL = 1000

_mesh = plsc.VectorSubcoreMesh(core_axis_name="c", subcore_axis_name="s",
                               num_cores=NC, num_subcores=NS)



@functools.partial(
    pl.kernel,
    out_type=jax.ShapeDtypeStruct((NC, N_PAD, D), jnp.float32),
    mesh=_mesh,
    scratch_types=[
        pltpu.VMEM_SHARED((N_PAD, D), jnp.float32),
        pltpu.VMEM((CH,), jnp.int32),
        pltpu.VMEM((CH,), jnp.int32),
        pltpu.VMEM((TAIL,), jnp.int32),
        pltpu.VMEM((CH, D), jnp.float32),
        pltpu.SemaphoreType.DMA,
        pltpu.SemaphoreType.DMA,
        pltpu.SemaphoreType.DMA,
    ],
)
def _deg_kernel(dst_hbm, ones_hbm, zeros_hbm, out_hbm, acc_sh,
                dst0, dst1, dstt, ones_v, dsem0, dsem1, tsem):
    cid = lax.axis_index("c")
    sid = lax.axis_index("s")
    wid = cid * NS + sid
    ebase = wid * EPW
    pltpu.sync_copy(ones_hbm, ones_v)
    pltpu.sync_copy(zeros_hbm.at[pl.ds(sid * RPW, RPW)],
                    acc_sh.at[pl.ds(sid * RPW, RPW)])
    plsc.subcore_barrier()

    def _dload(i, dstb, sem):
        pltpu.async_copy(dst_hbm.at[pl.ds(ebase + i * CH, CH)], dstb, sem)

    def _dwait(dstb, sem):
        pltpu.make_async_copy(dst_hbm.at[pl.ds(0, CH)], dstb, sem).wait()

    _dload(0, dst0, dsem0)
    pltpu.async_copy(dst_hbm.at[pl.ds(ebase + NCHUNK * CH, TAIL)], dstt, tsem)

    def step2(t, carry):
        i0 = 2 * t
        _dload(i0 + 1, dst1, dsem1)
        _dwait(dst0, dsem0)
        pltpu.sync_copy(ones_v, acc_sh.at[dst0], add=True)

        @pl.when(t < NCHUNK // 2 - 1)
        def _():
            _dload(i0 + 2, dst0, dsem0)

        _dwait(dst1, dsem1)
        pltpu.sync_copy(ones_v, acc_sh.at[dst1], add=True)
        return carry

    lax.fori_loop(0, NCHUNK // 2, step2, 0)
    pltpu.make_async_copy(dst_hbm.at[pl.ds(0, TAIL)], dstt, tsem).wait()
    pltpu.sync_copy(ones_v.at[pl.ds(0, TAIL)], acc_sh.at[dstt], add=True)
    plsc.subcore_barrier()
    pltpu.sync_copy(acc_sh.at[pl.ds(sid * RPW, RPW)],
                    out_hbm.at[cid, pl.ds(sid * RPW, RPW)])


@functools.partial(
    pl.kernel,
    out_type=jax.ShapeDtypeStruct((NC, N_PAD, D), jnp.float32),
    mesh=_mesh,
    scratch_types=[
        pltpu.VMEM_SHARED((N_PAD, D), jnp.float32),
        pltpu.VMEM((EPW,), jnp.int32),
        pltpu.VMEM((CH,), jnp.int32),
        pltpu.VMEM((CH,), jnp.int32),
        pltpu.VMEM((TAIL,), jnp.int32),
        pltpu.VMEM((CH, D), jnp.float32),
        pltpu.VMEM((CH, D), jnp.float32),
        pltpu.VMEM((TAIL, D), jnp.float32),
        pltpu.SemaphoreType.DMA,
        pltpu.SemaphoreType.DMA,
        pltpu.SemaphoreType.DMA,
        pltpu.SemaphoreType.DMA,
        pltpu.SemaphoreType.DMA,
    ],
)
def _edge_kernel(g_hbm, src_hbm, dst_hbm, zeros_hbm, out_hbm,
                 acc_sh, src_all, dst0, dst1, dstt, rows0, rows1, rowst,
                 gsem0, gsem1, dsem0, dsem1, tsem):
    cid = lax.axis_index("c")
    sid = lax.axis_index("s")
    wid = cid * NS + sid
    ebase = wid * EPW
    pltpu.sync_copy(src_hbm.at[pl.ds(ebase, EPW)], src_all)
    pltpu.sync_copy(zeros_hbm.at[pl.ds(sid * RPW, RPW)],
                    acc_sh.at[pl.ds(sid * RPW, RPW)])
    plsc.subcore_barrier()

    def _gather(i, rows, sem):
        pltpu.async_copy(g_hbm.at[src_all.at[pl.ds(i * CH, CH)]], rows, sem)

    def _dload(i, dstb, sem):
        pltpu.async_copy(dst_hbm.at[pl.ds(ebase + i * CH, CH)], dstb, sem)

    def _wait(dst_buf, sem, n):
        pltpu.make_async_copy(zeros_hbm.at[pl.ds(0, n)]
                              if len(dst_buf.shape) == 2 else
                              dst_hbm.at[pl.ds(0, n)],
                              dst_buf, sem).wait()

    _gather(0, rows0, gsem0)
    _dload(0, dst0, dsem0)
    pltpu.async_copy(
        g_hbm.at[src_all.at[pl.ds(NCHUNK * CH, TAIL)]], rowst, tsem)
    pltpu.async_copy(dst_hbm.at[pl.ds(ebase + NCHUNK * CH, TAIL)], dstt, tsem)

    def step2(t, carry):
        i0 = 2 * t
        _gather(i0 + 1, rows1, gsem1)
        _dload(i0 + 1, dst1, dsem1)
        _wait(rows0, gsem0, CH)
        _wait(dst0, dsem0, CH)
        pltpu.sync_copy(rows0, acc_sh.at[dst0], add=True)

        @pl.when(t < NCHUNK // 2 - 1)
        def _():
            _gather(i0 + 2, rows0, gsem0)
            _dload(i0 + 2, dst0, dsem0)

        _wait(rows1, gsem1, CH)
        _wait(dst1, dsem1, CH)
        pltpu.sync_copy(rows1, acc_sh.at[dst1], add=True)
        return carry

    lax.fori_loop(0, NCHUNK // 2, step2, 0)
    _wait(rowst, tsem, TAIL)
    _wait(dstt, tsem, TAIL)
    pltpu.sync_copy(rowst, acc_sh.at[dstt], add=True)
    plsc.subcore_barrier()
    pltpu.sync_copy(acc_sh.at[pl.ds(sid * RPW, RPW)],
                    out_hbm.at[cid, pl.ds(sid * RPW, RPW)])



def _t_matmul_body(x_ref, w_ref, h_ref):
    h_ref[...] = jnp.dot(x_ref[...], w_ref[...],
                         preferred_element_type=jnp.float32)


def _t_scale_body(h_ref, q_ref, g_ref, disv_ref):
    deg = q_ref[0, :, 0:1] + q_ref[1, :, 0:1] + 1.0
    dis = lax.rsqrt(deg)
    g_ref[...] = h_ref[...] * dis
    disv_ref[...] = jnp.broadcast_to(dis, (BLK, 8))


def _t_mid_body(p_ref, g_ref, disv_ref, b_ref, w_ref, gout_ref):
    dis = disv_ref[:, 0:1]
    p = p_ref[...]
    y = dis * (p[0] + p[1] + g_ref[...]) + b_ref[...]
    y = jnp.maximum(y, 0.0)
    h = jnp.dot(y, w_ref[...], preferred_element_type=jnp.float32)
    gout_ref[...] = h * dis


def _t_last_body(p_ref, g_ref, disv_ref, b_ref, out_ref):
    dis = disv_ref[:, 0:1]
    p = p_ref[...]
    out_ref[...] = dis * (p[0] + p[1] + g_ref[...]) + b_ref[...]


def _t_split_body(e_ref, s_ref, d_ref):
    s_ref[...] = e_ref[0]
    d_ref[...] = e_ref[1]


_out_e = jax.ShapeDtypeStruct((E,), jnp.int32)
_t_split = pl.pallas_call(
    _t_split_body,
    in_specs=[pl.BlockSpec((2, E), lambda: (0, 0))],
    out_specs=(pl.BlockSpec((E,), lambda: (0,)),
               pl.BlockSpec((E,), lambda: (0,))),
    out_shape=(_out_e, _out_e))

_GRID = (N_PAD // BLK,)
_spec_rows = pl.BlockSpec((BLK, D), lambda i: (i, 0))
_spec_p = pl.BlockSpec((2, BLK, D), lambda i: (0, i, 0))
_spec_q = pl.BlockSpec((2, BLK, D), lambda i: (0, i, 0))
_spec_dis = pl.BlockSpec((BLK, 8), lambda i: (i, 0))
_spec_w = pl.BlockSpec((D, D), lambda i: (0, 0))
_spec_b = pl.BlockSpec((1, D), lambda i: (0, 0))
_out_rows = jax.ShapeDtypeStruct((N_PAD, D), jnp.float32)
_out_dis = jax.ShapeDtypeStruct((N_PAD, 8), jnp.float32)

_t_matmul = pl.pallas_call(
    _t_matmul_body, grid=_GRID,
    in_specs=[_spec_rows, _spec_w],
    out_specs=_spec_rows, out_shape=_out_rows)

_t_scale = pl.pallas_call(
    _t_scale_body, grid=_GRID,
    in_specs=[_spec_rows, _spec_q],
    out_specs=(_spec_rows, _spec_dis), out_shape=(_out_rows, _out_dis))

_t_mid = pl.pallas_call(
    _t_mid_body, grid=_GRID,
    in_specs=[_spec_p, _spec_rows, _spec_dis, _spec_b, _spec_w],
    out_specs=_spec_rows, out_shape=_out_rows)

_t_last = pl.pallas_call(
    _t_last_body, grid=(N // BLKL,),
    in_specs=[pl.BlockSpec((2, BLKL, D), lambda i: (0, i, 0)),
              pl.BlockSpec((BLKL, D), lambda i: (i, 0)),
              pl.BlockSpec((BLKL, 8), lambda i: (i, 0)),
              _spec_b],
    out_specs=pl.BlockSpec((BLKL, D), lambda i: (i, 0)),
    out_shape=jax.ShapeDtypeStruct((N, D), jnp.float32))



def kernel(x, edge_index, W1, b1, W2, b2, W3, b3):
    src_p, dst_p = _t_split(edge_index.astype(jnp.int32))
    x_p = jnp.pad(x, ((0, N_PAD - N), (0, 0)))
    zeros_rows = jnp.zeros((N_PAD, D), jnp.float32)
    ones_rows = jnp.ones((CH, D), jnp.float32)
    b1r = b1.reshape(1, D)
    b2r = b2.reshape(1, D)
    b3r = b3.reshape(1, D)

    q = _deg_kernel(dst_p, ones_rows, zeros_rows)
    h1 = _t_matmul(x_p, W1)
    g1, disv = _t_scale(h1, q)
    p1 = _edge_kernel(g1, src_p, dst_p, zeros_rows)
    g2 = _t_mid(p1, g1, disv, b1r, W2)
    p2 = _edge_kernel(g2, src_p, dst_p, zeros_rows)
    g3 = _t_mid(p2, g2, disv, b2r, W3)
    p3 = _edge_kernel(g3, src_p, dst_p, zeros_rows)
    return _t_last(p3, g3, disv, b3r)

# --- scband reference (transcript-rebuilt; emitter-appended) ---
"""Pipeline reference for scband-gcn-layer-36120674959516 (READ-ONLY COPY).

The authoritative reference and input builder live on the scoring server;
editing this copy changes nothing except your own understanding.
"""

import jax, jax.numpy as jnp
import numpy as np

N_NODES = 10000
N_EDGES = 320000
D_IN = 128
D_OUT = 128


def gcn_conv(x, W, b, edge_index, num_nodes):
    # PyG GCNConv: add self-loops, symmetric normalization, linear transform, scatter-add, bias
    src = edge_index[0]
    dst = edge_index[1]
    loop = jnp.arange(num_nodes, dtype=edge_index.dtype)
    src = jnp.concatenate([src, loop])
    dst = jnp.concatenate([dst, loop])
    deg = jnp.zeros((num_nodes,), dtype=x.dtype).at[dst].add(1.0)
    deg_inv_sqrt = jnp.where(deg > 0, jax.lax.rsqrt(jnp.maximum(deg, 1e-12)), 0.0)
    norm = deg_inv_sqrt[src] * deg_inv_sqrt[dst]
    h = x @ W
    msg = h[src] * norm[:, None]
    out = jnp.zeros((num_nodes, W.shape[1]), dtype=x.dtype).at[dst].add(msg)
    return out + b


def setup_inputs(seed: int = 0) -> dict:
    key = jax.random.key(seed)
    k_x, k_e, k1, k2, k3 = jax.random.split(key, 5)
    x = jax.random.normal(k_x, (N_NODES, D_IN), dtype=jnp.float32)
    edge_index = jax.random.randint(k_e, (2, N_EDGES), 0, N_NODES, dtype=jnp.int64)
    s1 = 1.0 / np.sqrt(D_IN)
    s2 = 1.0 / np.sqrt(D_OUT)
    W1 = jax.random.uniform(k1, (D_IN, D_OUT), jnp.float32, -s1, s1)
    b1 = jnp.zeros((D_OUT,), jnp.float32)
    W2 = jax.random.uniform(k2, (D_OUT, D_OUT), jnp.float32, -s2, s2)
    b2 = jnp.zeros((D_OUT,), jnp.float32)
    W3 = jax.random.uniform(k3, (D_OUT, D_OUT), jnp.float32, -s2, s2)
    b3 = jnp.zeros((D_OUT,), jnp.float32)
    return {"x": x, "edge_index": edge_index, "W1": W1, "b1": b1, "W2": W2, "b2": b2, "W3": W3, "b3": b3}


def reference(x, edge_index, W1, b1, W2, b2, W3, b3):
    num_nodes = x.shape[0]
    h = gcn_conv(x, W1, b1, edge_index, num_nodes)
    # F.dropout treated as identity (deterministic eval semantics)
    h = jax.nn.relu(h)
    h = gcn_conv(h, W2, b2, edge_index, num_nodes)
    h = jax.nn.relu(h)
    h = gcn_conv(h, W3, b3, edge_index, num_nodes)
    return h

if __name__ == "__main__":
    import jax
    _d = setup_inputs()
    print(jax.jit(kernel)(*tuple(_d.values())))

</pallas_src>

<mosaic_0001>
#map = affine_map<(d0, d1) -> (0)>
#map1 = affine_map<(d0, d1) -> (0, 0)>
#map2 = affine_map<(d0, d1) -> (0, 0, 0)>
module attributes {stable_mosaic.version = 14 : i64} {
  func.func @_deg_kernel(%arg0: i32, %arg1: i32, %arg2: memref<320000xi32, #tpu.memory_space<hbm>>, %arg3: memref<128x128xf32, #tpu.memory_space<hbm>>, %arg4: memref<10240x128xf32, #tpu.memory_space<hbm>>, %arg5: memref<2x10240x128xf32, #tpu.memory_space<hbm>>, %arg6: memref<10240x128xf32, #tpu.memory_space<vmem_shared>>, %arg7: memref<128xi32, #tpu.memory_space<vmem>>, %arg8: memref<128xi32, #tpu.memory_space<vmem>>, %arg9: memref<16xi32, #tpu.memory_space<vmem>>, %arg10: memref<128x128xf32, #tpu.memory_space<vmem>>, %arg11: memref<!tpu.dma_semaphore, #tpu.memory_space<semaphore_mem>>, %arg12: memref<!tpu.dma_semaphore, #tpu.memory_space<semaphore_mem>>, %arg13: memref<!tpu.dma_semaphore, #tpu.memory_space<semaphore_mem>>) attributes {dimension_semantics = [#tpu.dimension_semantics<core_parallel>, #tpu.dimension_semantics<subcore_parallel>], iteration_bounds = array<i64: 2, 16>, scalar_prefetch = 0 : i64, scratch_operands = 8 : i64, tpu.core_type = #tpu.core_type<sc_vector_subcore>, window_params = [{transform_indices = #map}, {transform_indices = #map1}, {transform_indices = #map1}, {transform_indices = #map2}]} {
    %mul3A = arith.constant 16 : i32
    %mul3A_0 = arith.muli %arg0, %mul3A : i32
    %add3A = arith.addi %mul3A_0, %arg1 : i32
    %mul3A_1 = arith.constant 10000 : i32
    %mul3A_2 = arith.muli %add3A, %mul3A_1 : i32
    "tpu.region"() ({
      %run_scoped3A = tpu.sem_alloc : memref<!tpu.dma_semaphore, #tpu.memory_space<semaphore_mem>>
      tpu.enqueue_dma source(%arg3 : memref<128x128xf32, #tpu.memory_space<hbm>>) target(%arg10 : memref<128x128xf32, #tpu.memory_space<vmem>>) target_semaphore(%run_scoped3A : memref<!tpu.dma_semaphore, #tpu.memory_space<semaphore_mem>>)
      tpu.wait_dma2 semaphore(%run_scoped3A : memref<!tpu.dma_semaphore, #tpu.memory_space<semaphore_mem>>) src(%arg3 : memref<128x128xf32, #tpu.memory_space<hbm>>) dst(%arg10 : memref<128x128xf32, #tpu.memory_space<vmem>>)
      tpu.yield
    }) : () -> ()
    %mul3A_3 = arith.constant 640 : i32
    %mul3A_4 = arith.muli %arg1, %mul3A_3 : i32
    %mul3A_5 = arith.constant 640 : i32
    %mul3A_6 = arith.muli %arg1, %mul3A_5 : i32
    "tpu.region"() ({
      %run_scoped3A = tpu.sem_alloc : memref<!tpu.dma_semaphore, #tpu.memory_space<semaphore_mem>>
      %dma_start3A_27 = arith.constant 0 : i32
      %dma_start3A_28 = tpu.memref_slice %arg6[%mul3A_6, %dma_start3A_27] : memref<10240x128xf32, #tpu.memory_space<vmem_shared>> -> memref<640x128xf32, #tpu.memory_space<vmem_shared>>
      %dma_start3A_29 = arith.constant 0 : i32
      %dma_start3A_30 = tpu.memref_slice %arg4[%mul3A_4, %dma_start3A_29] : memref<10240x128xf32, #tpu.memory_space<hbm>> -> memref<640x128xf32, #tpu.memory_space<hbm>>
      tpu.enqueue_dma source(%dma_start3A_30 : memref<640x128xf32, #tpu.memory_space<hbm>>) target(%dma_start3A_28 : memref<640x128xf32, #tpu.memory_space<vmem_shared>>) target_semaphore(%run_scoped3A : memref<!tpu.dma_semaphore, #tpu.memory_space<semaphore_mem>>)
      %dma_wait3A_31 = arith.constant 0 : i32
      %dma_wait3A_32 = tpu.memref_slice %arg6[%mul3A_6, %dma_wait3A_31] : memref<10240x128xf32, #tpu.memory_space<vmem_shared>> -> memref<640x128xf32, #tpu.memory_space<vmem_shared>>
      %dma_wait3A_33 = arith.constant 0 : i32
      %dma_wait3A_34 = tpu.memref_slice %arg4[%mul3A_4, %dma_wait3A_33] : memref<10240x128xf32, #tpu.memory_space<hbm>> -> memref<640x128xf32, #tpu.memory_space<hbm>>
      tpu.wait_dma2 semaphore(%run_scoped3A : memref<!tpu.dma_semaphore, #tpu.memory_space<semaphore_mem>>) src(%dma_wait3A_34 : memref<640x128xf32, #tpu.memory_space<hbm>>) dst(%dma_wait3A_32 : memref<640x128xf32, #tpu.memory_space<vmem_shared>>)
      tpu.yield
    }) : () -> ()
    %barrier3A = arith.constant 0 : index
    tpu.barrier barrier_id(%barrier3A)
    %add3A_7 = arith.constant 0 : i32
    %add3A_8 = arith.addi %mul3A_2, %add3A_7 : i32
    %dma_start3A = tpu.memref_slice %arg2[%add3A_8] : memref<320000xi32, #tpu.memory_space<hbm>> -> memref<128xi32, #tpu.memory_space<hbm>>
    %dma_start3A_9 = tpu.memref_slice %arg2[%add3A_8] : memref<320000xi32, #tpu.memory_space<hbm>> -> memref<128xi32, #tpu.memory_space<hbm>>
    tpu.enqueue_dma source(%dma_start3A_9 : memref<128xi32, #tpu.memory_space<hbm>>) target(%arg7 : memref<128xi32, #tpu.memory_space<vmem>>) target_semaphore(%arg11 : memref<!tpu.dma_semaphore, #tpu.memory_space<semaphore_mem>>)
    %add3A_10 = arith.constant 9984 : i32
    %add3A_11 = arith.addi %mul3A_2, %add3A_10 : i32
    %dma_start3A_12 = tpu.memref_slice %arg2[%add3A_11] : memref<320000xi32, #tpu.memory_space<hbm>> -> memref<16xi32, #tpu.memory_space<hbm>>
    %dma_start3A_13 = tpu.memref_slice %arg2[%add3A_11] : memref<320000xi32, #tpu.memory_space<hbm>> -> memref<16xi32, #tpu.memory_space<hbm>>
    tpu.enqueue_dma source(%dma_start3A_13 : memref<16xi32, #tpu.memory_space<hbm>>) target(%arg9 : memref<16xi32, #tpu.memory_space<vmem>>) target_semaphore(%arg13 : memref<!tpu.dma_semaphore, #tpu.memory_space<semaphore_mem>>)
    %scan3A = arith.constant 0 : i32
    %scan3A_14 = arith.constant 0 : i32
    %scan3A_15 = arith.constant 39 : i32
    %scan3A_16 = arith.addi %scan3A_14, %scan3A_15 : i32
    %scan3A_17 = arith.constant 1 : i32
    scf.for %scan3A_27 = %scan3A_14 to %scan3A_16 step %scan3A_17  : i32 {
      %mul3A_28 = arith.constant 2 : i32
      %mul3A_29 = arith.muli %mul3A_28, %scan3A_27 : i32
      %add3A_30 = arith.constant 1 : i32
      %add3A_31 = arith.addi %mul3A_29, %add3A_30 : i32
      %mul3A_32 = arith.constant 128 : i32
      %mul3A_33 = arith.muli %add3A_31, %mul3A_32 : i32
      %add3A_34 = arith.addi %mul3A_2, %mul3A_33 : i32
      %dma_start3A_35 = tpu.memref_slice %arg2[%add3A_34] : memref<320000xi32, #tpu.memory_space<hbm>> -> memref<128xi32, #tpu.memory_space<hbm>>
      %dma_start3A_36 = tpu.memref_slice %arg2[%add3A_34] : memref<320000xi32, #tpu.memory_space<hbm>> -> memref<128xi32, #tpu.memory_space<hbm>>
      tpu.enqueue_dma source(%dma_start3A_36 : memref<128xi32, #tpu.memory_space<hbm>>) target(%arg8 : memref<128xi32, #tpu.memory_space<vmem>>) target_semaphore(%arg12 : memref<!tpu.dma_semaphore, #tpu.memory_space<semaphore_mem>>)
      %dma_wait3A_37 = arith.constant 0 : i32
      %dma_wait3A_38 = tpu.memref_slice %arg2[%dma_wait3A_37] : memref<320000xi32, #tpu.memory_space<hbm>> -> memref<128xi32, #tpu.memory_space<hbm>>
      %dma_wait3A_39 = arith.constant 0 : i32
      %dma_wait3A_40 = tpu.memref_slice %arg2[%dma_wait3A_39] : memref<320000xi32, #tpu.memory_space<hbm>> -> memref<128xi32, #tpu.memory_space<hbm>>
      tpu.wait_dma2 semaphore(%arg11 : memref<!tpu.dma_semaphore, #tpu.memory_space<semaphore_mem>>) src(%dma_wait3A_40 : memref<128xi32, #tpu.memory_space<hbm>>) dst(%arg7 : memref<128xi32, #tpu.memory_space<vmem>>)
      "tpu.region"() ({
        %run_scoped3A = tpu.sem_alloc : memref<!tpu.dma_semaphore, #tpu.memory_space<semaphore_mem>>
        %dma_start3A_47 = arith.constant 0 : i32
        %dma_start3A_48 = arith.constant 0 : i32
        %dma_start3A_49 = tpu.memref_slice %arg6[%dma_start3A_47, %dma_start3A_48] : memref<10240x128xf32, #tpu.memory_space<vmem_shared>> -> memref<10240x128xf32, #tpu.memory_space<vmem_shared>>
        tpu.enqueue_indirect_dma source(%arg10 : memref<128x128xf32, #tpu.memory_space<vmem>>) target(%dma_start3A_49 : memref<10240x128xf32, #tpu.memory_space<vmem_shared>>) offsets(%arg7 : memref<128xi32, #tpu.memory_space<vmem>>) semaphore(%run_scoped3A : memref<!tpu.dma_semaphore, #tpu.memory_space<semaphore_mem>>) {add = true}
        %dma_wait3A_50 = arith.constant 0 : i32
        %dma_wait3A_51 = arith.constant 0 : i32
        %dma_wait3A_52 = tpu.memref_slice %arg6[%dma_wait3A_50, %dma_wait3A_51] : memref<10240x128xf32, #tpu.memory_space<vmem_shared>> -> memref<10240x128xf32, #tpu.memory_space<vmem_shared>>
        tpu.wait_indirect_dma semaphore(%run_scoped3A : memref<!tpu.dma_semaphore, #tpu.memory_space<semaphore_mem>>) src(%arg10 : memref<128x128xf32, #tpu.memory_space<vmem>>) dst(%dma_wait3A_52 : memref<10240x128xf32, #tpu.memory_space<vmem_shared>>)
        tpu.yield
      }) : () -> ()
      %lt3A = arith.constant 38 : i32
      %lt3A_41 = arith.cmpi slt, %scan3A_27, %lt3A : i32
      %convert_element_type3A = arith.extui %lt3A_41 : i1 to i32
      %cond3A = arith.constant 0 : i32
      %cond3A_42 = arith.cmpi ne, %convert_element_type3A, %cond3A : i32
      scf.if %cond3A_42 {
        %add3A_47 = arith.constant 2 : i32
        %add3A_48 = arith.addi %mul3A_29, %add3A_47 : i32
        %mul3A_49 = arith.constant 128 : i32
        %mul3A_50 = arith.muli %add3A_48, %mul3A_49 : i32
        %add3A_51 = arith.addi %mul3A_2, %mul3A_50 : i32
        %dma_start3A_52 = tpu.memref_slice %arg2[%add3A_51] : memref<320000xi32, #tpu.memory_space<hbm>> -> memref<128xi32, #tpu.memory_space<hbm>>
        %dma_start3A_53 = tpu.memref_slice %arg2[%add3A_51] : memref<320000xi32, #tpu.memory_space<hbm>> -> memref<128xi32, #tpu.memory_space<hbm>>
        tpu.enqueue_dma source(%dma_start3A_53 : memref<128xi32, #tpu.memory_space<hbm>>) target(%arg7 : memref<128xi32, #tpu.memory_space<vmem>>) target_semaphore(%arg11 : memref<!tpu.dma_semaphore, #tpu.memory_space<semaphore_mem>>)
      } else {
      }
      %dma_wait3A_43 = arith.constant 0 : i32
      %dma_wait3A_44 = tpu.memref_slice %arg2[%dma_wait3A_43] : memref<320000xi32, #tpu.memory_space<hbm>> -> memref<128xi32, #tpu.memory_space<hbm>>
      %dma_wait3A_45 = arith.constant 0 : i32
      %dma_wait3A_46 = tpu.memref_slice %arg2[%dma_wait3A_45] : memref<320000xi32, #tpu.memory_space<hbm>> -> memref<128xi32, #tpu.memory_space<hbm>>
      tpu.wait_dma2 semaphore(%arg12 : memref<!tpu.dma_semaphore, #tpu.memory_space<semaphore_mem>>) src(%dma_wait3A_46 : memref<128xi32, #tpu.memory_space<hbm>>) dst(%arg8 : memref<128xi32, #tpu.memory_space<vmem>>)
      "tpu.region"() ({
        %run_scoped3A = tpu.sem_alloc : memref<!tpu.dma_semaphore, #tpu.memory_space<semaphore_mem>>
        %dma_start3A_47 = arith.constant 0 : i32
        %dma_start3A_48 = arith.constant 0 : i32
        %dma_start3A_49 = tpu.memref_slice %arg6[%dma_start3A_47, %dma_start3A_48] : memref<10240x128xf32, #tpu.memory_space<vmem_shared>> -> memref<10240x128xf32, #tpu.memory_space<vmem_shared>>
        tpu.enqueue_indirect_dma source(%arg10 : memref<128x128xf32, #tpu.memory_space<vmem>>) target(%dma_start3A_49 : memref<10240x128xf32, #tpu.memory_space<vmem_shared>>) offsets(%arg8 : memref<128xi32, #tpu.memory_space<vmem>>) semaphore(%run_scoped3A : memref<!tpu.dma_semaphore, #tpu.memory_space<semaphore_mem>>) {add = true}
        %dma_wait3A_50 = arith.constant 0 : i32
        %dma_wait3A_51 = arith.constant 0 : i32
        %dma_wait3A_52 = tpu.memref_slice %arg6[%dma_wait3A_50, %dma_wait3A_51] : memref<10240x128xf32, #tpu.memory_space<vmem_shared>> -> memref<10240x128xf32, #tpu.memory_space<vmem_shared>>
        tpu.wait_indirect_dma semaphore(%run_scoped3A : memref<!tpu.dma_semaphore, #tpu.memory_space<semaphore_mem>>) src(%arg10 : memref<128x128xf32, #tpu.memory_space<vmem>>) dst(%dma_wait3A_52 : memref<10240x128xf32, #tpu.memory_space<vmem_shared>>)
        tpu.yield
      }) : () -> ()
    }
    %scan3A_18 = arith.constant 39 : i32
    %dma_wait3A = arith.constant 0 : i32
    %dma_wait3A_19 = tpu.memref_slice %arg2[%dma_wait3A] : memref<320000xi32, #tpu.memory_space<hbm>> -> memref<16xi32, #tpu.memory_space<hbm>>
    %dma_wait3A_20 = arith.constant 0 : i32
    %dma_wait3A_21 = tpu.memref_slice %arg2[%dma_wait3A_20] : memref<320000xi32, #tpu.memory_space<hbm>> -> memref<16xi32, #tpu.memory_space<hbm>>
    tpu.wait_dma2 semaphore(%arg13 : memref<!tpu.dma_semaphore, #tpu.memory_space<semaphore_mem>>) src(%dma_wait3A_21 : memref<16xi32, #tpu.memory_space<hbm>>) dst(%arg9 : memref<16xi32, #tpu.memory_space<vmem>>)
    "tpu.region"() ({
      %run_scoped3A = tpu.sem_alloc : memref<!tpu.dma_semaphore, #tpu.memory_space<semaphore_mem>>
      %dma_start3A_27 = arith.constant 0 : i32
      %dma_start3A_28 = arith.constant 0 : i32
      %dma_start3A_29 = tpu.memref_slice %arg10[%dma_start3A_27, %dma_start3A_28] : memref<128x128xf32, #tpu.memory_space<vmem>> -> memref<16x128xf32, #tpu.memory_space<vmem>>
      %dma_start3A_30 = arith.constant 0 : i32
      %dma_start3A_31 = arith.constant 0 : i32
      %dma_start3A_32 = tpu.memref_slice %arg6[%dma_start3A_30, %dma_start3A_31] : memref<10240x128xf32, #tpu.memory_space<vmem_shared>> -> memref<10240x128xf32, #tpu.memory_space<vmem_shared>>
      tpu.enqueue_indirect_dma source(%dma_start3A_29 : memref<16x128xf32, #tpu.memory_space<vmem>>) target(%dma_start3A_32 : memref<10240x128xf32, #tpu.memory_space<vmem_shared>>) offsets(%arg9 : memref<16xi32, #tpu.memory_space<vmem>>) semaphore(%run_scoped3A : memref<!tpu.dma_semaphore, #tpu.memory_space<semaphore_mem>>) {add = true}
      %dma_wait3A_33 = arith.constant 0 : i32
      %dma_wait3A_34 = arith.constant 0 : i32
      %dma_wait3A_35 = tpu.memref_slice %arg10[%dma_wait3A_33, %dma_wait3A_34] : memref<128x128xf32, #tpu.memory_space<vmem>> -> memref<16x128xf32, #tpu.memory_space<vmem>>
      %dma_wait3A_36 = arith.constant 0 : i32
      %dma_wait3A_37 = arith.constant 0 : i32
      %dma_wait3A_38 = tpu.memref_slice %arg6[%dma_wait3A_36, %dma_wait3A_37] : memref<10240x128xf32, #tpu.memory_space<vmem_shared>> -> memref<10240x128xf32, #tpu.memory_space<vmem_shared>>
      tpu.wait_indirect_dma semaphore(%run_scoped3A : memref<!tpu.dma_semaphore, #tpu.memory_space<semaphore_mem>>) src(%dma_wait3A_35 : memref<16x128xf32, #tpu.memory_space<vmem>>) dst(%dma_wait3A_38 : memref<10240x128xf32, #tpu.memory_space<vmem_shared>>)
      tpu.yield
    }) : () -> ()
    %barrier3A_22 = arith.constant 0 : index
    tpu.barrier barrier_id(%barrier3A_22)
    %mul3A_23 = arith.constant 640 : i32
    %mul3A_24 = arith.muli %arg1, %mul3A_23 : i32
    %mul3A_25 = arith.constant 640 : i32
    %mul3A_26 = arith.muli %arg1, %mul3A_25 : i32
    "tpu.region"() ({
      %run_scoped3A = tpu.sem_alloc : memref<!tpu.dma_semaphore, #tpu.memory_space<semaphore_mem>>
      %dma_start3A_27 = arith.constant 0 : i32
      %dma_start3A_28 = tpu.memref_slice %arg5[%arg0, %mul3A_26, %dma_start3A_27] : memref<2x10240x128xf32, #tpu.memory_space<hbm>> -> memref<1x640x128xf32, #tpu.memory_space<hbm>>
      %dma_start3A_29 = tpu.memref_squeeze %dma_start3A_28 : memref<1x640x128xf32, #tpu.memory_space<hbm>> -> memref<640x128xf32, #tpu.memory_space<hbm>>
      %dma_start3A_30 = arith.constant 0 : i32
      %dma_start3A_31 = tpu.memref_slice %arg6[%mul3A_24, %dma_start3A_30] : memref<10240x128xf32, #tpu.memory_space<vmem_shared>> -> memref<640x128xf32, #tpu.memory_space<vmem_shared>>
      tpu.enqueue_dma source(%dma_start3A_31 : memref<640x128xf32, #tpu.memory_space<vmem_shared>>) target(%dma_start3A_29 : memref<640x128xf32, #tpu.memory_space<hbm>>) target_semaphore(%run_scoped3A : memref<!tpu.dma_semaphore, #tpu.memory_space<semaphore_mem>>)
      %dma_wait3A_32 = arith.constant 0 : i32
      %dma_wait3A_33 = tpu.memref_slice %arg5[%arg0, %mul3A_26, %dma_wait3A_32] : memref<2x10240x128xf32, #tpu.memory_space<hbm>> -> memref<1x640x128xf32, #tpu.memory_space<hbm>>
      %dma_wait3A_34 = tpu.memref_squeeze %dma_wait3A_33 : memref<1x640x128xf32, #tpu.memory_space<hbm>> -> memref<640x128xf32, #tpu.memory_space<hbm>>
      %dma_wait3A_35 = arith.constant 0 : i32
      %dma_wait3A_36 = tpu.memref_slice %arg6[%mul3A_24, %dma_wait3A_35] : memref<10240x128xf32, #tpu.memory_space<vmem_shared>> -> memref<640x128xf32, #tpu.memory_space<vmem_shared>>
      tpu.wait_dma2 semaphore(%run_scoped3A : memref<!tpu.dma_semaphore, #tpu.memory_space<semaphore_mem>>) src(%dma_wait3A_36 : memref<640x128xf32, #tpu.memory_space<vmem_shared>>) dst(%dma_wait3A_34 : memref<640x128xf32, #tpu.memory_space<hbm>>)
      tpu.yield
    }) : () -> ()
    return
  }
}

#map = affine_map<(d0, d1) -> (0, 0)>
#map1 = affine_map<(d0, d1) -> (0)>
#map2 = affine_map<(d0, d1) -> (0, 0, 0)>
module attributes {stable_mosaic.version = 14 : i64} {
  func.func @_edge_kernel(%arg0: i32, %arg1: i32, %arg2: memref<10240x128xf32, #tpu.memory_space<hbm>>, %arg3: memref<320000xi32, #tpu.memory_space<hbm>>, %arg4: memref<320000xi32, #tpu.memory_space<hbm>>, %arg5: memref<10240x128xf32, #tpu.memory_space<hbm>>, %arg6: memref<2x10240x128xf32, #tpu.memory_space<hbm>>, %arg7: memref<10240x128xf32, #tpu.memory_space<vmem_shared>>, %arg8: memref<10000xi32, #tpu.memory_space<vmem>>, %arg9: memref<128xi32, #tpu.memory_space<vmem>>, %arg10: memref<128xi32, #tpu.memory_space<vmem>>, %arg11: memref<16xi32, #tpu.memory_space<vmem>>, %arg12: memref<128x128xf32, #tpu.memory_space<vmem>>, %arg13: memref<128x128xf32, #tpu.memory_space<vmem>>, %arg14: memref<16x128xf32, #tpu.memory_space<vmem>>, %arg15: memref<!tpu.dma_semaphore, #tpu.memory_space<semaphore_mem>>, %arg16: memref<!tpu.dma_semaphore, #tpu.memory_space<semaphore_mem>>, %arg17: memref<!tpu.dma_semaphore, #tpu.memory_space<semaphore_mem>>, %arg18: memref<!tpu.dma_semaphore, #tpu.memory_space<semaphore_mem>>, %arg19: memref<!tpu.dma_semaphore, #tpu.memory_space<semaphore_mem>>) attributes {dimension_semantics = [#tpu.dimension_semantics<core_parallel>, #tpu.dimension_semantics<subcore_parallel>], iteration_bounds = array<i64: 2, 16>, scalar_prefetch = 0 : i64, scratch_operands = 13 : i64, tpu.core_type = #tpu.core_type<sc_vector_subcore>, window_params = [{transform_indices = #map}, {transform_indices = #map1}, {transform_indices = #map1}, {transform_indices = #map}, {transform_indices = #map2}]} {
    %mul3A = arith.constant 16 : i32
    %mul3A_0 = arith.muli %arg0, %mul3A : i32
    %add3A = arith.addi %mul3A_0, %arg1 : i32
    %mul3A_1 = arith.constant 10000 : i32
    %mul3A_2 = arith.muli %add3A, %mul3A_1 : i32
    "tpu.region"() ({
      %run_scoped3A = tpu.sem_alloc : memref<!tpu.dma_semaphore, #tpu.memory_space<semaphore_mem>>
      %dma_start3A_43 = tpu.memref_slice %arg3[%mul3A_2] : memref<320000xi32, #tpu.memory_space<hbm>> -> memref<10000xi32, #tpu.memory_space<hbm>>
      %dma_start3A_44 = tpu.memref_slice %arg3[%mul3A_2] : memref<320000xi32, #tpu.memory_space<hbm>> -> memref<10000xi32, #tpu.memory_space<hbm>>
      tpu.enqueue_dma source(%dma_start3A_44 : memref<10000xi32, #tpu.memory_space<hbm>>) target(%arg8 : memref<10000xi32, #tpu.memory_space<vmem>>) target_semaphore(%run_scoped3A : memref<!tpu.dma_semaphore, #tpu.memory_space<semaphore_mem>>)
      %dma_wait3A_45 = tpu.memref_slice %arg3[%mul3A_2] : memref<320000xi32, #tpu.memory_space<hbm>> -> memref<10000xi32, #tpu.memory_space<hbm>>
      %dma_wait3A_46 = tpu.memref_slice %arg3[%mul3A_2] : memref<320000xi32, #tpu.memory_space<hbm>> -> memref<10000xi32, #tpu.memory_space<hbm>>
      tpu.wait_dma2 semaphore(%run_scoped3A : memref<!tpu.dma_semaphore, #tpu.memory_space<semaphore_mem>>) src(%dma_wait3A_46 : memref<10000xi32, #tpu.memory_space<hbm>>) dst(%arg8 : memref<10000xi32, #tpu.memory_space<vmem>>)
      tpu.yield
    }) : () -> ()
    %mul3A_3 = arith.constant 640 : i32
    %mul3A_4 = arith.muli %arg1, %mul3A_3 : i32
    %mul3A_5 = arith.constant 640 : i32
    %mul3A_6 = arith.muli %arg1, %mul3A_5 : i32
    "tpu.region"() ({
      %run_scoped3A = tpu.sem_alloc : memref<!tpu.dma_semaphore, #tpu.memory_space<semaphore_mem>>
      %dma_start3A_43 = arith.constant 0 : i32
      %dma_start3A_44 = tpu.memref_slice %arg7[%mul3A_6, %dma_start3A_43] : memref<10240x128xf32, #tpu.memory_space<vmem_shared>> -> memref<640x128xf32, #tpu.memory_space<vmem_shared>>
      %dma_start3A_45 = arith.constant 0 : i32
      %dma_start3A_46 = tpu.memref_slice %arg5[%mul3A_4, %dma_start3A_45] : memref<10240x128xf32, #tpu.memory_space<hbm>> -> memref<640x128xf32, #tpu.memory_space<hbm>>
      tpu.enqueue_dma source(%dma_start3A_46 : memref<640x128xf32, #tpu.memory_space<hbm>>) target(%dma_start3A_44 : memref<640x128xf32, #tpu.memory_space<vmem_shared>>) target_semaphore(%run_scoped3A : memref<!tpu.dma_semaphore, #tpu.memory_space<semaphore_mem>>)
      %dma_wait3A_47 = arith.constant 0 : i32
      %dma_wait3A_48 = tpu.memref_slice %arg7[%mul3A_6, %dma_wait3A_47] : memref<10240x128xf32, #tpu.memory_space<vmem_shared>> -> memref<640x128xf32, #tpu.memory_space<vmem_shared>>
      %dma_wait3A_49 = arith.constant 0 : i32
      %dma_wait3A_50 = tpu.memref_slice %arg5[%mul3A_4, %dma_wait3A_49] : memref<10240x128xf32, #tpu.memory_space<hbm>> -> memref<640x128xf32, #tpu.memory_space<hbm>>
      tpu.wait_dma2 semaphore(%run_scoped3A : memref<!tpu.dma_semaphore, #tpu.memory_space<semaphore_mem>>) src(%dma_wait3A_50 : memref<640x128xf32, #tpu.memory_space<hbm>>) dst(%dma_wait3A_48 : memref<640x128xf32, #tpu.memory_space<vmem_shared>>)
      tpu.yield
    }) : () -> ()
    %barrier3A = arith.constant 0 : index
    tpu.barrier barrier_id(%barrier3A)
    %dma_start3A = arith.constant 0 : i32
    %dma_start3A_7 = tpu.memref_slice %arg8[%dma_start3A] : memref<10000xi32, #tpu.memory_space<vmem>> -> memref<128xi32, #tpu.memory_space<vmem>>
    %dma_start3A_8 = arith.constant 0 : i32
    %dma_start3A_9 = arith.constant 0 : i32
    %dma_start3A_10 = tpu.memref_slice %arg2[%dma_start3A_8, %dma_start3A_9] : memref<10240x128xf32, #tpu.memory_space<hbm>> -> memref<10240x128xf32, #tpu.memory_space<hbm>>
    tpu.enqueue_indirect_dma source(%dma_start3A_10 : memref<10240x128xf32, #tpu.memory_space<hbm>>) target(%arg12 : memref<128x128xf32, #tpu.memory_space<vmem>>) offsets(%dma_start3A_7 : memref<128xi32, #tpu.memory_space<vmem>>) semaphore(%arg15 : memref<!tpu.dma_semaphore, #tpu.memory_space<semaphore_mem>>)
    %add3A_11 = arith.constant 0 : i32
    %add3A_12 = arith.addi %mul3A_2, %add3A_11 : i32
    %dma_start3A_13 = tpu.memref_slice %arg4[%add3A_12] : memref<320000xi32, #tpu.memory_space<hbm>> -> memref<128xi32, #tpu.memory_space<hbm>>
    %dma_start3A_14 = tpu.memref_slice %arg4[%add3A_12] : memref<320000xi32, #tpu.memory_space<hbm>> -> memref<128xi32, #tpu.memory_space<hbm>>
    tpu.enqueue_dma source(%dma_start3A_14 : memref<128xi32, #tpu.memory_space<hbm>>) target(%arg9 : memref<128xi32, #tpu.memory_space<vmem>>) target_semaphore(%arg17 : memref<!tpu.dma_semaphore, #tpu.memory_space<semaphore_mem>>)
    %dma_start3A_15 = arith.constant 9984 : i32
    %dma_start3A_16 = tpu.memref_slice %arg8[%dma_start3A_15] : memref<10000xi32, #tpu.memory_space<vmem>> -> memref<16xi32, #tpu.memory_space<vmem>>
    %dma_start3A_17 = arith.constant 0 : i32
    %dma_start3A_18 = arith.constant 0 : i32
    %dma_start3A_19 = tpu.memref_slice %arg2[%dma_start3A_17, %dma_start3A_18] : memref<10240x128xf32, #tpu.memory_space<hbm>> -> memref<10240x128xf32, #tpu.memory_space<hbm>>
    tpu.enqueue_indirect_dma source(%dma_start3A_19 : memref<10240x128xf32, #tpu.memory_space<hbm>>) target(%arg14 : memref<16x128xf32, #tpu.memory_space<vmem>>) offsets(%dma_start3A_16 : memref<16xi32, #tpu.memory_space<vmem>>) semaphore(%arg19 : memref<!tpu.dma_semaphore, #tpu.memory_space<semaphore_mem>>)
    %add3A_20 = arith.constant 9984 : i32
    %add3A_21 = arith.addi %mul3A_2, %add3A_20 : i32
    %dma_start3A_22 = tpu.memref_slice %arg4[%add3A_21] : memref<320000xi32, #tpu.memory_space<hbm>> -> memref<16xi32, #tpu.memory_space<hbm>>
    %dma_start3A_23 = tpu.memref_slice %arg4[%add3A_21] : memref<320000xi32, #tpu.memory_space<hbm>> -> memref<16xi32, #tpu.memory_space<hbm>>
    tpu.enqueue_dma source(%dma_start3A_23 : memref<16xi32, #tpu.memory_space<hbm>>) target(%arg11 : memref<16xi32, #tpu.memory_space<vmem>>) target_semaphore(%arg19 : memref<!tpu.dma_semaphore, #tpu.memory_space<semaphore_mem>>)
    %scan3A = arith.constant 0 : i32
    %scan3A_24 = arith.constant 0 : i32
    %scan3A_25 = arith.constant 39 : i32
    %scan3A_26 = arith.addi %scan3A_24, %scan3A_25 : i32
    %scan3A_27 = arith.constant 1 : i32
    scf.for %scan3A_43 = %scan3A_24 to %scan3A_26 step %scan3A_27  : i32 {
      %mul3A_44 = arith.constant 2 : i32
      %mul3A_45 = arith.muli %mul3A_44, %scan3A_43 : i32
      %add3A_46 = arith.constant 1 : i32
      %add3A_47 = arith.addi %mul3A_45, %add3A_46 : i32
      %mul3A_48 = arith.constant 128 : i32
      %mul3A_49 = arith.muli %add3A_47, %mul3A_48 : i32
      %dma_start3A_50 = tpu.memref_slice %arg8[%mul3A_49] : memref<10000xi32, #tpu.memory_space<vmem>> -> memref<128xi32, #tpu.memory_space<vmem>>
      %dma_start3A_51 = arith.constant 0 : i32
      %dma_start3A_52 = arith.constant 0 : i32
      %dma_start3A_53 = tpu.memref_slice %arg2[%dma_start3A_51, %dma_start3A_52] : memref<10240x128xf32, #tpu.memory_space<hbm>> -> memref<10240x128xf32, #tpu.memory_space<hbm>>
      tpu.enqueue_indirect_dma source(%dma_start3A_53 : memref<10240x128xf32, #tpu.memory_space<hbm>>) target(%arg13 : memref<128x128xf32, #tpu.memory_space<vmem>>) offsets(%dma_start3A_50 : memref<128xi32, #tpu.memory_space<vmem>>) semaphore(%arg16 : memref<!tpu.dma_semaphore, #tpu.memory_space<semaphore_mem>>)
      %add3A_54 = arith.constant 1 : i32
      %add3A_55 = arith.addi %mul3A_45, %add3A_54 : i32
      %mul3A_56 = arith.constant 128 : i32
      %mul3A_57 = arith.muli %add3A_55, %mul3A_56 : i32
      %add3A_58 = arith.addi %mul3A_2, %mul3A_57 : i32
      %dma_start3A_59 = tpu.memref_slice %arg4[%add3A_58] : memref<320000xi32, #tpu.memory_space<hbm>> -> memref<128xi32, #tpu.memory_space<hbm>>
      %dma_start3A_60 = tpu.memref_slice %arg4[%add3A_58] : memref<320000xi32, #tpu.memory_space<hbm>> -> memref<128xi32, #tpu.memory_space<hbm>>
      tpu.enqueue_dma source(%dma_start3A_60 : memref<128xi32, #tpu.memory_space<hbm>>) target(%arg10 : memref<128xi32, #tpu.memory_space<vmem>>) target_semaphore(%arg18 : memref<!tpu.dma_semaphore, #tpu.memory_space<semaphore_mem>>)
      %dma_wait3A_61 = arith.constant 0 : i32
      %dma_wait3A_62 = arith.constant 0 : i32
      %dma_wait3A_63 = tpu.memref_slice %arg5[%dma_wait3A_61, %dma_wait3A_62] : memref<10240x128xf32, #tpu.memory_space<hbm>> -> memref<128x128xf32, #tpu.memory_space<hbm>>
      %dma_wait3A_64 = arith.constant 0 : i32
      %dma_wait3A_65 = arith.constant 0 : i32
      %dma_wait3A_66 = tpu.memref_slice %arg5[%dma_wait3A_64, %dma_wait3A_65] : memref<10240x128xf32, #tpu.memory_space<hbm>> -> memref<128x128xf32, #tpu.memory_space<hbm>>
      tpu.wait_dma2 semaphore(%arg15 : memref<!tpu.dma_semaphore, #tpu.memory_space<semaphore_mem>>) src(%dma_wait3A_66 : memref<128x128xf32, #tpu.memory_space<hbm>>) dst(%arg12 : memref<128x128xf32, #tpu.memory_space<vmem>>)
      %dma_wait3A_67 = arith.constant 0 : i32
      %dma_wait3A_68 = tpu.memref_slice %arg4[%dma_wait3A_67] : memref<320000xi32, #tpu.memory_space<hbm>> -> memref<128xi32, #tpu.memory_space<hbm>>
      %dma_wait3A_69 = arith.constant 0 : i32
      %dma_wait3A_70 = tpu.memref_slice %arg4[%dma_wait3A_69] : memref<320000xi32, #tpu.memory_space<hbm>> -> memref<128xi32, #tpu.memory_space<hbm>>
      tpu.wait_dma2 semaphore(%arg17 : memref<!tpu.dma_semaphore, #tpu.memory_space<semaphore_mem>>) src(%dma_wait3A_70 : memref<128xi32, #tpu.memory_space<hbm>>) dst(%arg9 : memref<128xi32, #tpu.memory_space<vmem>>)
      "tpu.region"() ({
        %run_scoped3A = tpu.sem_alloc : memref<!tpu.dma_semaphore, #tpu.memory_space<semaphore_mem>>
        %dma_start3A_83 = arith.constant 0 : i32
        %dma_start3A_84 = arith.constant 0 : i32
        %dma_start3A_85 = tpu.memref_slice %arg7[%dma_start3A_83, %dma_start3A_84] : memref<10240x128xf32, #tpu.memory_space<vmem_shared>> -> memref<10240x128xf32, #tpu.memory_space<vmem_shared>>
        tpu.enqueue_indirect_dma source(%arg12 : memref<128x128xf32, #tpu.memory_space<vmem>>) target(%dma_start3A_85 : memref<10240x128xf32, #tpu.memory_space<vmem_shared>>) offsets(%arg9 : memref<128xi32, #tpu.memory_space<vmem>>) semaphore(%run_scoped3A : memref<!tpu.dma_semaphore, #tpu.memory_space<semaphore_mem>>) {add = true}
        %dma_wait3A_86 = arith.constant 0 : i32
        %dma_wait3A_87 = arith.constant 0 : i32
        %dma_wait3A_88 = tpu.memref_slice %arg7[%dma_wait3A_86, %dma_wait3A_87] : memref<10240x128xf32, #tpu.memory_space<vmem_shared>> -> memref<10240x128xf32, #tpu.memory_space<vmem_shared>>
        tpu.wait_indirect_dma semaphore(%run_scoped3A : memref<!tpu.dma_semaphore, #tpu.memory_space<semaphore_mem>>) src(%arg12 : memref<128x128xf32, #tpu.memory_space<vmem>>) dst(%dma_wait3A_88 : memref<10240x128xf32, #tpu.memory_space<vmem_shared>>)
        tpu.yield
      }) : () -> ()
      %lt3A = arith.constant 38 : i32
      %lt3A_71 = arith.cmpi slt, %scan3A_43, %lt3A : i32
      %convert_element_type3A = arith.extui %lt3A_71 : i1 to i32
      %cond3A = arith.constant 0 : i32
      %cond3A_72 = arith.cmpi ne, %convert_element_type3A, %cond3A : i32
      scf.if %cond3A_72 {
        %add3A_83 = arith.constant 2 : i32
        %add3A_84 = arith.addi %mul3A_45, %add3A_83 : i32
        %mul3A_85 = arith.constant 128 : i32
        %mul3A_86 = arith.muli %add3A_84, %mul3A_85 : i32
        %dma_start3A_87 = tpu.memref_slice %arg8[%mul3A_86] : memref<10000xi32, #tpu.memory_space<vmem>> -> memref<128xi32, #tpu.memory_space<vmem>>
        %dma_start3A_88 = arith.constant 0 : i32
        %dma_start3A_89 = arith.constant 0 : i32
        %dma_start3A_90 = tpu.memref_slice %arg2[%dma_start3A_88, %dma_start3A_89] : memref<10240x128xf32, #tpu.memory_space<hbm>> -> memref<10240x128xf32, #tpu.memory_space<hbm>>
        tpu.enqueue_indirect_dma source(%dma_start3A_90 : memref<10240x128xf32, #tpu.memory_space<hbm>>) target(%arg12 : memref<128x128xf32, #tpu.memory_space<vmem>>) offsets(%dma_start3A_87 : memref<128xi32, #tpu.memory_space<vmem>>) semaphore(%arg15 : memref<!tpu.dma_semaphore, #tpu.memory_space<semaphore_mem>>)
        %add3A_91 = arith.constant 2 : i32
        %add3A_92 = arith.addi %mul3A_45, %add3A_91 : i32
        %mul3A_93 = arith.constant 128 : i32
        %mul3A_94 = arith.muli %add3A_92, %mul3A_93 : i32
        %add3A_95 = arith.addi %mul3A_2, %mul3A_94 : i32
        %dma_start3A_96 = tpu.memref_slice %arg4[%add3A_95] : memref<320000xi32, #tpu.memory_space<hbm>> -> memref<128xi32, #tpu.memory_space<hbm>>
        %dma_start3A_97 = tpu.memref_slice %arg4[%add3A_95] : memref<320000xi32, #tpu.memory_space<hbm>> -> memref<128xi32, #tpu.memory_space<hbm>>
        tpu.enqueue_dma source(%dma_start3A_97 : memref<128xi32, #tpu.memory_space<hbm>>) target(%arg9 : memref<128xi32, #tpu.memory_space<vmem>>) target_semaphore(%arg17 : memref<!tpu.dma_semaphore, #tpu.memory_space<semaphore_mem>>)
      } else {
      }
      %dma_wait3A_73 = arith.constant 0 : i32
      %dma_wait3A_74 = arith.constant 0 : i32
      %dma_wait3A_75 = tpu.memref_slice %arg5[%dma_wait3A_73, %dma_wait3A_74] : memref<10240x128xf32, #tpu.memory_space<hbm>> -> memref<128x128xf32, #tpu.memory_space<hbm>>
      %dma_wait3A_76 = arith.constant 0 : i32
      %dma_wait3A_77 = arith.constant 0 : i32
      %dma_wait3A_78 = tpu.memref_slice %arg5[%dma_wait3A_76, %dma_wait3A_77] : memref<10240x128xf32, #tpu.memory_space<hbm>> -> memref<128x128xf32, #tpu.memory_space<hbm>>
      tpu.wait_dma2 semaphore(%arg16 : memref<!tpu.dma_semaphore, #tpu.memory_space<semaphore_mem>>) src(%dma_wait3A_78 : memref<128x128xf32, #tpu.memory_space<hbm>>) dst(%arg13 : memref<128x128xf32, #tpu.memory_space<vmem>>)
      %dma_wait3A_79 = arith.constant 0 : i32
      %dma_wait3A_80 = tpu.memref_slice %arg4[%dma_wait3A_79] : memref<320000xi32, #tpu.memory_space<hbm>> -> memref<128xi32, #tpu.memory_space<hbm>>
      %dma_wait3A_81 = arith.constant 0 : i32
      %dma_wait3A_82 = tpu.memref_slice %arg4[%dma_wait3A_81] : memref<320000xi32, #tpu.memory_space<hbm>> -> memref<128xi32, #tpu.memory_space<hbm>>
      tpu.wait_dma2 semaphore(%arg18 : memref<!tpu.dma_semaphore, #tpu.memory_space<semaphore_mem>>) src(%dma_wait3A_82 : memref<128xi32, #tpu.memory_space<hbm>>) dst(%arg10 : memref<128xi32, #tpu.memory_space<vmem>>)
      "tpu.region"() ({
        %run_scoped3A = tpu.sem_alloc : memref<!tpu.dma_semaphore, #tpu.memory_space<semaphore_mem>>
        %dma_start3A_83 = arith.constant 0 : i32
        %dma_start3A_84 = arith.constant 0 : i32
        %dma_start3A_85 = tpu.memref_slice %arg7[%dma_start3A_83, %dma_start3A_84] : memref<10240x128xf32, #tpu.memory_space<vmem_shared>> -> memref<10240x128xf32, #tpu.memory_space<vmem_shared>>
        tpu.enqueue_indirect_dma source(%arg13 : memref<128x128xf32, #tpu.memory_space<vmem>>) target(%dma_start3A_85 : memref<10240x128xf32, #tpu.memory_space<vmem_shared>>) offsets(%arg10 : memref<128xi32, #tpu.memory_space<vmem>>) semaphore(%run_scoped3A : memref<!tpu.dma_semaphore, #tpu.memory_space<semaphore_mem>>) {add = true}
        %dma_wait3A_86 = arith.constant 0 : i32
        %dma_wait3A_87 = arith.constant 0 : i32
        %dma_wait3A_88 = tpu.memref_slice %arg7[%dma_wait3A_86, %dma_wait3A_87] : memref<10240x128xf32, #tpu.memory_space<vmem_shared>> -> memref<10240x128xf32, #tpu.memory_space<vmem_shared>>
        tpu.wait_indirect_dma semaphore(%run_scoped3A : memref<!tpu.dma_semaphore, #tpu.memory_space<semaphore_mem>>) src(%arg13 : memref<128x128xf32, #tpu.memory_space<vmem>>) dst(%dma_wait3A_88 : memref<10240x128xf32, #tpu.memory_space<vmem_shared>>)
        tpu.yield
      }) : () -> ()
    }
    %scan3A_28 = arith.constant 39 : i32
    %dma_wait3A = arith.constant 0 : i32
    %dma_wait3A_29 = arith.constant 0 : i32
    %dma_wait3A_30 = tpu.memref_slice %arg5[%dma_wait3A, %dma_wait3A_29] : memref<10240x128xf32, #tpu.memory_space<hbm>> -> memref<16x128xf32, #tpu.memory_space<hbm>>
    %dma_wait3A_31 = arith.constant 0 : i32
    %dma_wait3A_32 = arith.constant 0 : i32
    %dma_wait3A_33 = tpu.memref_slice %arg5[%dma_wait3A_31, %dma_wait3A_32] : memref<10240x128xf32, #tpu.memory_space<hbm>> -> memref<16x128xf32, #tpu.memory_space<hbm>>
    tpu.wait_dma2 semaphore(%arg19 : memref<!tpu.dma_semaphore, #tpu.memory_space<semaphore_mem>>) src(%dma_wait3A_33 : memref<16x128xf32, #tpu.memory_space<hbm>>) dst(%arg14 : memref<16x128xf32, #tpu.memory_space<vmem>>)
    %dma_wait3A_34 = arith.constant 0 : i32
    %dma_wait3A_35 = tpu.memref_slice %arg4[%dma_wait3A_34] : memref<320000xi32, #tpu.memory_space<hbm>> -> memref<16xi32, #tpu.memory_space<hbm>>
    %dma_wait3A_36 = arith.constant 0 : i32
    %dma_wait3A_37 = tpu.memref_slice %arg4[%dma_wait3A_36] : memref<320000xi32, #tpu.memory_space<hbm>> -> memref<16xi32, #tpu.memory_space<hbm>>
    tpu.wait_dma2 semaphore(%arg19 : memref<!tpu.dma_semaphore, #tpu.memory_space<semaphore_mem>>) src(%dma_wait3A_37 : memref<16xi32, #tpu.memory_space<hbm>>) dst(%arg11 : memref<16xi32, #tpu.memory_space<vmem>>)
    "tpu.region"() ({
      %run_scoped3A = tpu.sem_alloc : memref<!tpu.dma_semaphore, #tpu.memory_space<semaphore_mem>>
      %dma_start3A_43 = arith.constant 0 : i32
      %dma_start3A_44 = arith.constant 0 : i32
      %dma_start3A_45 = tpu.memref_slice %arg7[%dma_start3A_43, %dma_start3A_44] : memref<10240x128xf32, #tpu.memory_space<vmem_shared>> -> memref<10240x128xf32, #tpu.memory_space<vmem_shared>>
      tpu.enqueue_indirect_dma source(%arg14 : memref<16x128xf32, #tpu.memory_space<vmem>>) target(%dma_start3A_45 : memref<10240x128xf32, #tpu.memory_space<vmem_shared>>) offsets(%arg11 : memref<16xi32, #tpu.memory_space<vmem>>) semaphore(%run_scoped3A : memref<!tpu.dma_semaphore, #tpu.memory_space<semaphore_mem>>) {add = true}
      %dma_wait3A_46 = arith.constant 0 : i32
      %dma_wait3A_47 = arith.constant 0 : i32
      %dma_wait3A_48 = tpu.memref_slice %arg7[%dma_wait3A_46, %dma_wait3A_47] : memref<10240x128xf32, #tpu.memory_space<vmem_shared>> -> memref<10240x128xf32, #tpu.memory_space<vmem_shared>>
      tpu.wait_indirect_dma semaphore(%run_scoped3A : memref<!tpu.dma_semaphore, #tpu.memory_space<semaphore_mem>>) src(%arg14 : memref<16x128xf32, #tpu.memory_space<vmem>>) dst(%dma_wait3A_48 : memref<10240x128xf32, #tpu.memory_space<vmem_shared>>)
      tpu.yield
    }) : () -> ()
    %barrier3A_38 = arith.constant 0 : index
    tpu.barrier barrier_id(%barrier3A_38)
    %mul3A_39 = arith.constant 640 : i32
    %mul3A_40 = arith.muli %arg1, %mul3A_39 : i32
    %mul3A_41 = arith.constant 640 : i32
    %mul3A_42 = arith.muli %arg1, %mul3A_41 : i32
    "tpu.region"() ({
      %run_scoped3A = tpu.sem_alloc : memref<!tpu.dma_semaphore, #tpu.memory_space<semaphore_mem>>
      %dma_start3A_43 = arith.constant 0 : i32
      %dma_start3A_44 = tpu.memref_slice %arg6[%arg0, %mul3A_42, %dma_start3A_43] : memref<2x10240x128xf32, #tpu.memory_space<hbm>> -> memref<1x640x128xf32, #tpu.memory_space<hbm>>
      %dma_start3A_45 = tpu.memref_squeeze %dma_start3A_44 : memref<1x640x128xf32, #tpu.memory_space<hbm>> -> memref<640x128xf32, #tpu.memory_space<hbm>>
      %dma_start3A_46 = arith.constant 0 : i32
      %dma_start3A_47 = tpu.memref_slice %arg7[%mul3A_40, %dma_start3A_46] : memref<10240x128xf32, #tpu.memory_space<vmem_shared>> -> memref<640x128xf32, #tpu.memory_space<vmem_shared>>
      tpu.enqueue_dma source(%dma_start3A_47 : memref<640x128xf32, #tpu.memory_space<vmem_shared>>) target(%dma_start3A_45 : memref<640x128xf32, #tpu.memory_space<hbm>>) target_semaphore(%run_scoped3A : memref<!tpu.dma_semaphore, #tpu.memory_space<semaphore_mem>>)
      %dma_wait3A_48 = arith.constant 0 : i32
      %dma_wait3A_49 = tpu.memref_slice %arg6[%arg0, %mul3A_42, %dma_wait3A_48] : memref<2x10240x128xf32, #tpu.memory_space<hbm>> -> memref<1x640x128xf32, #tpu.memory_space<hbm>>
      %dma_wait3A_50 = tpu.memref_squeeze %dma_wait3A_49 : memref<1x640x128xf32, #tpu.memory_space<hbm>> -> memref<640x128xf32, #tpu.memory_space<hbm>>
      %dma_wait3A_51 = arith.constant 0 : i32
      %dma_wait3A_52 = tpu.memref_slice %arg7[%mul3A_40, %dma_wait3A_51] : memref<10240x128xf32, #tpu.memory_space<vmem_shared>> -> memref<640x128xf32, #tpu.memory_space<vmem_shared>>
      tpu.wait_dma2 semaphore(%run_scoped3A : memref<!tpu.dma_semaphore, #tpu.memory_space<semaphore_mem>>) src(%dma_wait3A_52 : memref<640x128xf32, #tpu.memory_space<vmem_shared>>) dst(%dma_wait3A_50 : memref<640x128xf32, #tpu.memory_space<hbm>>)
      tpu.yield
    }) : () -> ()
    return
  }
}

#map = affine_map<(d0, d1) -> (0, 0)>
#map1 = affine_map<(d0, d1) -> (0)>
#map2 = affine_map<(d0, d1) -> (0, 0, 0)>
module attributes {stable_mosaic.version = 14 : i64} {
  func.func @_edge_kernel(%arg0: i32, %arg1: i32, %arg2: memref<10240x128xf32, #tpu.memory_space<hbm>>, %arg3: memref<320000xi32, #tpu.memory_space<hbm>>, %arg4: memref<320000xi32, #tpu.memory_space<hbm>>, %arg5: memref<10240x128xf32, #tpu.memory_space<hbm>>, %arg6: memref<2x10240x128xf32, #tpu.memory_space<hbm>>, %arg7: memref<10240x128xf32, #tpu.memory_space<vmem_shared>>, %arg8: memref<10000xi32, #tpu.memory_space<vmem>>, %arg9: memref<128xi32, #tpu.memory_space<vmem>>, %arg10: memref<128xi32, #tpu.memory_space<vmem>>, %arg11: memref<16xi32, #tpu.memory_space<vmem>>, %arg12: memref<128x128xf32, #tpu.memory_space<vmem>>, %arg13: memref<128x128xf32, #tpu.memory_space<vmem>>, %arg14: memref<16x128xf32, #tpu.memory_space<vmem>>, %arg15: memref<!tpu.dma_semaphore, #tpu.memory_space<semaphore_mem>>, %arg16: memref<!tpu.dma_semaphore, #tpu.memory_space<semaphore_mem>>, %arg17: memref<!tpu.dma_semaphore, #tpu.memory_space<semaphore_mem>>, %arg18: memref<!tpu.dma_semaphore, #tpu.memory_space<semaphore_mem>>, %arg19: memref<!tpu.dma_semaphore, #tpu.memory_space<semaphore_mem>>) attributes {dimension_semantics = [#tpu.dimension_semantics<core_parallel>, #tpu.dimension_semantics<subcore_parallel>], iteration_bounds = array<i64: 2, 16>, scalar_prefetch = 0 : i64, scratch_operands = 13 : i64, tpu.core_type = #tpu.core_type<sc_vector_subcore>, window_params = [{transform_indices = #map}, {transform_indices = #map1}, {transform_indices = #map1}, {transform_indices = #map}, {transform_indices = #map2}]} {
    %mul3A = arith.constant 16 : i32
    %mul3A_0 = arith.muli %arg0, %mul3A : i32
    %add3A = arith.addi %mul3A_0, %arg1 : i32
    %mul3A_1 = arith.constant 10000 : i32
    %mul3A_2 = arith.muli %add3A, %mul3A_1 : i32
    "tpu.region"() ({
      %run_scoped3A = tpu.sem_alloc : memref<!tpu.dma_semaphore, #tpu.memory_space<semaphore_mem>>
      %dma_start3A_43 = tpu.memref_slice %arg3[%mul3A_2] : memref<320000xi32, #tpu.memory_space<hbm>> -> memref<10000xi32, #tpu.memory_space<hbm>>
      %dma_start3A_44 = tpu.memref_slice %arg3[%mul3A_2] : memref<320000xi32, #tpu.memory_space<hbm>> -> memref<10000xi32, #tpu.memory_space<hbm>>
      tpu.enqueue_dma source(%dma_start3A_44 : memref<10000xi32, #tpu.memory_space<hbm>>) target(%arg8 : memref<10000xi32, #tpu.memory_space<vmem>>) target_semaphore(%run_scoped3A : memref<!tpu.dma_semaphore, #tpu.memory_space<semaphore_mem>>)
      %dma_wait3A_45 = tpu.memref_slice %arg3[%mul3A_2] : memref<320000xi32, #tpu.memory_space<hbm>> -> memref<10000xi32, #tpu.memory_space<hbm>>
      %dma_wait3A_46 = tpu.memref_slice %arg3[%mul3A_2] : memref<320000xi32, #tpu.memory_space<hbm>> -> memref<10000xi32, #tpu.memory_space<hbm>>
      tpu.wait_dma2 semaphore(%run_scoped3A : memref<!tpu.dma_semaphore, #tpu.memory_space<semaphore_mem>>) src(%dma_wait3A_46 : memref<10000xi32, #tpu.memory_space<hbm>>) dst(%arg8 : memref<10000xi32, #tpu.memory_space<vmem>>)
      tpu.yield
    }) : () -> ()
    %mul3A_3 = arith.constant 640 : i32
    %mul3A_4 = arith.muli %arg1, %mul3A_3 : i32
    %mul3A_5 = arith.constant 640 : i32
    %mul3A_6 = arith.muli %arg1, %mul3A_5 : i32
    "tpu.region"() ({
      %run_scoped3A = tpu.sem_alloc : memref<!tpu.dma_semaphore, #tpu.memory_space<semaphore_mem>>
      %dma_start3A_43 = arith.constant 0 : i32
      %dma_start3A_44 = tpu.memref_slice %arg7[%mul3A_6, %dma_start3A_43] : memref<10240x128xf32, #tpu.memory_space<vmem_shared>> -> memref<640x128xf32, #tpu.memory_space<vmem_shared>>
      %dma_start3A_45 = arith.constant 0 : i32
      %dma_start3A_46 = tpu.memref_slice %arg5[%mul3A_4, %dma_start3A_45] : memref<10240x128xf32, #tpu.memory_space<hbm>> -> memref<640x128xf32, #tpu.memory_space<hbm>>
      tpu.enqueue_dma source(%dma_start3A_46 : memref<640x128xf32, #tpu.memory_space<hbm>>) target(%dma_start3A_44 : memref<640x128xf32, #tpu.memory_space<vmem_shared>>) target_semaphore(%run_scoped3A : memref<!tpu.dma_semaphore, #tpu.memory_space<semaphore_mem>>)
      %dma_wait3A_47 = arith.constant 0 : i32
      %dma_wait3A_48 = tpu.memref_slice %arg7[%mul3A_6, %dma_wait3A_47] : memref<10240x128xf32, #tpu.memory_space<vmem_shared>> -> memref<640x128xf32, #tpu.memory_space<vmem_shared>>
      %dma_wait3A_49 = arith.constant 0 : i32
      %dma_wait3A_50 = tpu.memref_slice %arg5[%mul3A_4, %dma_wait3A_49] : memref<10240x128xf32, #tpu.memory_space<hbm>> -> memref<640x128xf32, #tpu.memory_space<hbm>>
      tpu.wait_dma2 semaphore(%run_scoped3A : memref<!tpu.dma_semaphore, #tpu.memory_space<semaphore_mem>>) src(%dma_wait3A_50 : memref<640x128xf32, #tpu.memory_space<hbm>>) dst(%dma_wait3A_48 : memref<640x128xf32, #tpu.memory_space<vmem_shared>>)
      tpu.yield
    }) : () -> ()
    %barrier3A = arith.constant 0 : index
    tpu.barrier barrier_id(%barrier3A)
    %dma_start3A = arith.constant 0 : i32
    %dma_start3A_7 = tpu.memref_slice %arg8[%dma_start3A] : memref<10000xi32, #tpu.memory_space<vmem>> -> memref<128xi32, #tpu.memory_space<vmem>>
    %dma_start3A_8 = arith.constant 0 : i32
    %dma_start3A_9 = arith.constant 0 : i32
    %dma_start3A_10 = tpu.memref_slice %arg2[%dma_start3A_8, %dma_start3A_9] : memref<10240x128xf32, #tpu.memory_space<hbm>> -> memref<10240x128xf32, #tpu.memory_space<hbm>>
    tpu.enqueue_indirect_dma source(%dma_start3A_10 : memref<10240x128xf32, #tpu.memory_space<hbm>>) target(%arg12 : memref<128x128xf32, #tpu.memory_space<vmem>>) offsets(%dma_start3A_7 : memref<128xi32, #tpu.memory_space<vmem>>) semaphore(%arg15 : memref<!tpu.dma_semaphore, #tpu.memory_space<semaphore_mem>>)
    %add3A_11 = arith.constant 0 : i32
    %add3A_12 = arith.addi %mul3A_2, %add3A_11 : i32
    %dma_start3A_13 = tpu.memref_slice %arg4[%add3A_12] : memref<320000xi32, #tpu.memory_space<hbm>> -> memref<128xi32, #tpu.memory_space<hbm>>
    %dma_start3A_14 = tpu.memref_slice %arg4[%add3A_12] : memref<320000xi32, #tpu.memory_space<hbm>> -> memref<128xi32, #tpu.memory_space<hbm>>
    tpu.enqueue_dma source(%dma_start3A_14 : memref<128xi32, #tpu.memory_space<hbm>>) target(%arg9 : memref<128xi32, #tpu.memory_space<vmem>>) target_semaphore(%arg17 : memref<!tpu.dma_semaphore, #tpu.memory_space<semaphore_mem>>)
    %dma_start3A_15 = arith.constant 9984 : i32
    %dma_start3A_16 = tpu.memref_slice %arg8[%dma_start3A_15] : memref<10000xi32, #tpu.memory_space<vmem>> -> memref<16xi32, #tpu.memory_space<vmem>>
    %dma_start3A_17 = arith.constant 0 : i32
    %dma_start3A_18 = arith.constant 0 : i32
    %dma_start3A_19 = tpu.memref_slice %arg2[%dma_start3A_17, %dma_start3A_18] : memref<10240x128xf32, #tpu.memory_space<hbm>> -> memref<10240x128xf32, #tpu.memory_space<hbm>>
    tpu.enqueue_indirect_dma source(%dma_start3A_19 : memref<10240x128xf32, #tpu.memory_space<hbm>>) target(%arg14 : memref<16x128xf32, #tpu.memory_space<vmem>>) offsets(%dma_start3A_16 : memref<16xi32, #tpu.memory_space<vmem>>) semaphore(%arg19 : memref<!tpu.dma_semaphore, #tpu.memory_space<semaphore_mem>>)
    %add3A_20 = arith.constant 9984 : i32
    %add3A_21 = arith.addi %mul3A_2, %add3A_20 : i32
    %dma_start3A_22 = tpu.memref_slice %arg4[%add3A_21] : memref<320000xi32, #tpu.memory_space<hbm>> -> memref<16xi32, #tpu.memory_space<hbm>>
    %dma_start3A_23 = tpu.memref_slice %arg4[%add3A_21] : memref<320000xi32, #tpu.memory_space<hbm>> -> memref<16xi32, #tpu.memory_space<hbm>>
    tpu.enqueue_dma source(%dma_start3A_23 : memref<16xi32, #tpu.memory_space<hbm>>) target(%arg11 : memref<16xi32, #tpu.memory_space<vmem>>) target_semaphore(%arg19 : memref<!tpu.dma_semaphore, #tpu.memory_space<semaphore_mem>>)
    %scan3A = arith.constant 0 : i32
    %scan3A_24 = arith.constant 0 : i32
    %scan3A_25 = arith.constant 39 : i32
    %scan3A_26 = arith.addi %scan3A_24, %scan3A_25 : i32
    %scan3A_27 = arith.constant 1 : i32
    scf.for %scan3A_43 = %scan3A_24 to %scan3A_26 step %scan3A_27  : i32 {
      %mul3A_44 = arith.constant 2 : i32
      %mul3A_45 = arith.muli %mul3A_44, %scan3A_43 : i32
      %add3A_46 = arith.constant 1 : i32
      %add3A_47 = arith.addi %mul3A_45, %add3A_46 : i32
      %mul3A_48 = arith.constant 128 : i32
      %mul3A_49 = arith.muli %add3A_47, %mul3A_48 : i32
      %dma_start3A_50 = tpu.memref_slice %arg8[%mul3A_49] : memref<10000xi32, #tpu.memory_space<vmem>> -> memref<128xi32, #tpu.memory_space<vmem>>
      %dma_start3A_51 = arith.constant 0 : i32
      %dma_start3A_52 = arith.constant 0 : i32
      %dma_start3A_53 = tpu.memref_slice %arg2[%dma_start3A_51, %dma_start3A_52] : memref<10240x128xf32, #tpu.memory_space<hbm>> -> memref<10240x128xf32, #tpu.memory_space<hbm>>
      tpu.enqueue_indirect_dma source(%dma_start3A_53 : memref<10240x128xf32, #tpu.memory_space<hbm>>) target(%arg13 : memref<128x128xf32, #tpu.memory_space<vmem>>) offsets(%dma_start3A_50 : memref<128xi32, #tpu.memory_space<vmem>>) semaphore(%arg16 : memref<!tpu.dma_semaphore, #tpu.memory_space<semaphore_mem>>)
      %add3A_54 = arith.constant 1 : i32
      %add3A_55 = arith.addi %mul3A_45, %add3A_54 : i32
      %mul3A_56 = arith.constant 128 : i32
      %mul3A_57 = arith.muli %add3A_55, %mul3A_56 : i32
      %add3A_58 = arith.addi %mul3A_2, %mul3A_57 : i32
      %dma_start3A_59 = tpu.memref_slice %arg4[%add3A_58] : memref<320000xi32, #tpu.memory_space<hbm>> -> memref<128xi32, #tpu.memory_space<hbm>>
      %dma_start3A_60 = tpu.memref_slice %arg4[%add3A_58] : memref<320000xi32, #tpu.memory_space<hbm>> -> memref<128xi32, #tpu.memory_space<hbm>>
      tpu.enqueue_dma source(%dma_start3A_60 : memref<128xi32, #tpu.memory_space<hbm>>) target(%arg10 : memref<128xi32, #tpu.memory_space<vmem>>) target_semaphore(%arg18 : memref<!tpu.dma_semaphore, #tpu.memory_space<semaphore_mem>>)
      %dma_wait3A_61 = arith.constant 0 : i32
      %dma_wait3A_62 = arith.constant 0 : i32
      %dma_wait3A_63 = tpu.memref_slice %arg5[%dma_wait3A_61, %dma_wait3A_62] : memref<10240x128xf32, #tpu.memory_space<hbm>> -> memref<128x128xf32, #tpu.memory_space<hbm>>
      %dma_wait3A_64 = arith.constant 0 : i32
      %dma_wait3A_65 = arith.constant 0 : i32
      %dma_wait3A_66 = tpu.memref_slice %arg5[%dma_wait3A_64, %dma_wait3A_65] : memref<10240x128xf32, #tpu.memory_space<hbm>> -> memref<128x128xf32, #tpu.memory_space<hbm>>
      tpu.wait_dma2 semaphore(%arg15 : memref<!tpu.dma_semaphore, #tpu.memory_space<semaphore_mem>>) src(%dma_wait3A_66 : memref<128x128xf32, #tpu.memory_space<hbm>>) dst(%arg12 : memref<128x128xf32, #tpu.memory_space<vmem>>)
      %dma_wait3A_67 = arith.constant 0 : i32
      %dma_wait3A_68 = tpu.memref_slice %arg4[%dma_wait3A_67] : memref<320000xi32, #tpu.memory_space<hbm>> -> memref<128xi32, #tpu.memory_space<hbm>>
      %dma_wait3A_69 = arith.constant 0 : i32
      %dma_wait3A_70 = tpu.memref_slice %arg4[%dma_wait3A_69] : memref<320000xi32, #tpu.memory_space<hbm>> -> memref<128xi32, #tpu.memory_space<hbm>>
      tpu.wait_dma2 semaphore(%arg17 : memref<!tpu.dma_semaphore, #tpu.memory_space<semaphore_mem>>) src(%dma_wait3A_70 : memref<128xi32, #tpu.memory_space<hbm>>) dst(%arg9 : memref<128xi32, #tpu.memory_space<vmem>>)
      "tpu.region"() ({
        %run_scoped3A = tpu.sem_alloc : memref<!tpu.dma_semaphore, #tpu.memory_space<semaphore_mem>>
        %dma_start3A_83 = arith.constant 0 : i32
        %dma_start3A_84 = arith.constant 0 : i32
        %dma_start3A_85 = tpu.memref_slice %arg7[%dma_start3A_83, %dma_start3A_84] : memref<10240x128xf32, #tpu.memory_space<vmem_shared>> -> memref<10240x128xf32, #tpu.memory_space<vmem_shared>>
        tpu.enqueue_indirect_dma source(%arg12 : memref<128x128xf32, #tpu.memory_space<vmem>>) target(%dma_start3A_85 : memref<10240x128xf32, #tpu.memory_space<vmem_shared>>) offsets(%arg9 : memref<128xi32, #tpu.memory_space<vmem>>) semaphore(%run_scoped3A : memref<!tpu.dma_semaphore, #tpu.memory_space<semaphore_mem>>) {add = true}
        %dma_wait3A_86 = arith.constant 0 : i32
        %dma_wait3A_87 = arith.constant 0 : i32
        %dma_wait3A_88 = tpu.memref_slice %arg7[%dma_wait3A_86, %dma_wait3A_87] : memref<10240x128xf32, #tpu.memory_space<vmem_shared>> -> memref<10240x128xf32, #tpu.memory_space<vmem_shared>>
        tpu.wait_indirect_dma semaphore(%run_scoped3A : memref<!tpu.dma_semaphore, #tpu.memory_space<semaphore_mem>>) src(%arg12 : memref<128x128xf32, #tpu.memory_space<vmem>>) dst(%dma_wait3A_88 : memref<10240x128xf32, #tpu.memory_space<vmem_shared>>)
        tpu.yield
      }) : () -> ()
      %lt3A = arith.constant 38 : i32
      %lt3A_71 = arith.cmpi slt, %scan3A_43, %lt3A : i32
      %convert_element_type3A = arith.extui %lt3A_71 : i1 to i32
      %cond3A = arith.constant 0 : i32
      %cond3A_72 = arith.cmpi ne, %convert_element_type3A, %cond3A : i32
      scf.if %cond3A_72 {
        %add3A_83 = arith.constant 2 : i32
        %add3A_84 = arith.addi %mul3A_45, %add3A_83 : i32
        %mul3A_85 = arith.constant 128 : i32
        %mul3A_86 = arith.muli %add3A_84, %mul3A_85 : i32
        %dma_start3A_87 = tpu.memref_slice %arg8[%mul3A_86] : memref<10000xi32, #tpu.memory_space<vmem>> -> memref<128xi32, #tpu.memory_space<vmem>>
        %dma_start3A_88 = arith.constant 0 : i32
        %dma_start3A_89 = arith.constant 0 : i32
        %dma_start3A_90 = tpu.memref_slice %arg2[%dma_start3A_88, %dma_start3A_89] : memref<10240x128xf32, #tpu.memory_space<hbm>> -> memref<10240x128xf32, #tpu.memory_space<hbm>>
        tpu.enqueue_indirect_dma source(%dma_start3A_90 : memref<10240x128xf32, #tpu.memory_space<hbm>>) target(%arg12 : memref<128x128xf32, #tpu.memory_space<vmem>>) offsets(%dma_start3A_87 : memref<128xi32, #tpu.memory_space<vmem>>) semaphore(%arg15 : memref<!tpu.dma_semaphore, #tpu.memory_space<semaphore_mem>>)
        %add3A_91 = arith.constant 2 : i32
        %add3A_92 = arith.addi %mul3A_45, %add3A_91 : i32
        %mul3A_93 = arith.constant 128 : i32
        %mul3A_94 = arith.muli %add3A_92, %mul3A_93 : i32
        %add3A_95 = arith.addi %mul3A_2, %mul3A_94 : i32
        %dma_start3A_96 = tpu.memref_slice %arg4[%add3A_95] : memref<320000xi32, #tpu.memory_space<hbm>> -> memref<128xi32, #tpu.memory_space<hbm>>
        %dma_start3A_97 = tpu.memref_slice %arg4[%add3A_95] : memref<320000xi32, #tpu.memory_space<hbm>> -> memref<128xi32, #tpu.memory_space<hbm>>
        tpu.enqueue_dma source(%dma_start3A_97 : memref<128xi32, #tpu.memory_space<hbm>>) target(%arg9 : memref<128xi32, #tpu.memory_space<vmem>>) target_semaphore(%arg17 : memref<!tpu.dma_semaphore, #tpu.memory_space<semaphore_mem>>)
      } else {
      }
      %dma_wait3A_73 = arith.constant 0 : i32
      %dma_wait3A_74 = arith.constant 0 : i32
      %dma_wait3A_75 = tpu.memref_slice %arg5[%dma_wait3A_73, %dma_wait3A_74] : memref<10240x128xf32, #tpu.memory_space<hbm>> -> memref<128x128xf32, #tpu.memory_space<hbm>>
      %dma_wait3A_76 = arith.constant 0 : i32
      %dma_wait3A_77 = arith.constant 0 : i32
      %dma_wait3A_78 = tpu.memref_slice %arg5[%dma_wait3A_76, %dma_wait3A_77] : memref<10240x128xf32, #tpu.memory_space<hbm>> -> memref<128x128xf32, #tpu.memory_space<hbm>>
      tpu.wait_dma2 semaphore(%arg16 : memref<!tpu.dma_semaphore, #tpu.memory_space<semaphore_mem>>) src(%dma_wait3A_78 : memref<128x128xf32, #tpu.memory_space<hbm>>) dst(%arg13 : memref<128x128xf32, #tpu.memory_space<vmem>>)
      %dma_wait3A_79 = arith.constant 0 : i32
      %dma_wait3A_80 = tpu.memref_slice %arg4[%dma_wait3A_79] : memref<320000xi32, #tpu.memory_space<hbm>> -> memref<128xi32, #tpu.memory_space<hbm>>
      %dma_wait3A_81 = arith.constant 0 : i32
      %dma_wait3A_82 = tpu.memref_slice %arg4[%dma_wait3A_81] : memref<320000xi32, #tpu.memory_space<hbm>> -> memref<128xi32, #tpu.memory_space<hbm>>
      tpu.wait_dma2 semaphore(%arg18 : memref<!tpu.dma_semaphore, #tpu.memory_space<semaphore_mem>>) src(%dma_wait3A_82 : memref<128xi32, #tpu.memory_space<hbm>>) dst(%arg10 : memref<128xi32, #tpu.memory_space<vmem>>)
      "tpu.region"() ({
        %run_scoped3A = tpu.sem_alloc : memref<!tpu.dma_semaphore, #tpu.memory_space<semaphore_mem>>
        %dma_start3A_83 = arith.constant 0 : i32
        %dma_start3A_84 = arith.constant 0 : i32
        %dma_start3A_85 = tpu.memref_slice %arg7[%dma_start3A_83, %dma_start3A_84] : memref<10240x128xf32, #tpu.memory_space<vmem_shared>> -> memref<10240x128xf32, #tpu.memory_space<vmem_shared>>
        tpu.enqueue_indirect_dma source(%arg13 : memref<128x128xf32, #tpu.memory_space<vmem>>) target(%dma_start3A_85 : memref<10240x128xf32, #tpu.memory_space<vmem_shared>>) offsets(%arg10 : memref<128xi32, #tpu.memory_space<vmem>>) semaphore(%run_scoped3A : memref<!tpu.dma_semaphore, #tpu.memory_space<semaphore_mem>>) {add = true}
        %dma_wait3A_86 = arith.constant 0 : i32
        %dma_wait3A_87 = arith.constant 0 : i32
        %dma_wait3A_88 = tpu.memref_slice %arg7[%dma_wait3A_86, %dma_wait3A_87] : memref<10240x128xf32, #tpu.memory_space<vmem_shared>> -> memref<10240x128xf32, #tpu.memory_space<vmem_shared>>
        tpu.wait_indirect_dma semaphore(%run_scoped3A : memref<!tpu.dma_semaphore, #tpu.memory_space<semaphore_mem>>) src(%arg13 : memref<128x128xf32, #tpu.memory_space<vmem>>) dst(%dma_wait3A_88 : memref<10240x128xf32, #tpu.memory_space<vmem_shared>>)
        tpu.yield
      }) : () -> ()
    }
    %scan3A_28 = arith.constant 39 : i32
    %dma_wait3A = arith.constant 0 : i32
    %dma_wait3A_29 = arith.constant 0 : i32
    %dma_wait3A_30 = tpu.memref_slice %arg5[%dma_wait3A, %dma_wait3A_29] : memref<10240x128xf32, #tpu.memory_space<hbm>> -> memref<16x128xf32, #tpu.memory_space<hbm>>
    %dma_wait3A_31 = arith.constant 0 : i32
    %dma_wait3A_32 = arith.constant 0 : i32
    %dma_wait3A_33 = tpu.memref_slice %arg5[%dma_wait3A_31, %dma_wait3A_32] : memref<10240x128xf32, #tpu.memory_space<hbm>> -> memref<16x128xf32, #tpu.memory_space<hbm>>
    tpu.wait_dma2 semaphore(%arg19 : memref<!tpu.dma_semaphore, #tpu.memory_space<semaphore_mem>>) src(%dma_wait3A_33 : memref<16x128xf32, #tpu.memory_space<hbm>>) dst(%arg14 : memref<16x128xf32, #tpu.memory_space<vmem>>)
    %dma_wait3A_34 = arith.constant 0 : i32
    %dma_wait3A_35 = tpu.memref_slice %arg4[%dma_wait3A_34] : memref<320000xi32, #tpu.memory_space<hbm>> -> memref<16xi32, #tpu.memory_space<hbm>>
    %dma_wait3A_36 = arith.constant 0 : i32
    %dma_wait3A_37 = tpu.memref_slice %arg4[%dma_wait3A_36] : memref<320000xi32, #tpu.memory_space<hbm>> -> memref<16xi32, #tpu.memory_space<hbm>>
    tpu.wait_dma2 semaphore(%arg19 : memref<!tpu.dma_semaphore, #tpu.memory_space<semaphore_mem>>) src(%dma_wait3A_37 : memref<16xi32, #tpu.memory_space<hbm>>) dst(%arg11 : memref<16xi32, #tpu.memory_space<vmem>>)
    "tpu.region"() ({
      %run_scoped3A = tpu.sem_alloc : memref<!tpu.dma_semaphore, #tpu.memory_space<semaphore_mem>>
      %dma_start3A_43 = arith.constant 0 : i32
      %dma_start3A_44 = arith.constant 0 : i32
      %dma_start3A_45 = tpu.memref_slice %arg7[%dma_start3A_43, %dma_start3A_44] : memref<10240x128xf32, #tpu.memory_space<vmem_shared>> -> memref<10240x128xf32, #tpu.memory_space<vmem_shared>>
      tpu.enqueue_indirect_dma source(%arg14 : memref<16x128xf32, #tpu.memory_space<vmem>>) target(%dma_start3A_45 : memref<10240x128xf32, #tpu.memory_space<vmem_shared>>) offsets(%arg11 : memref<16xi32, #tpu.memory_space<vmem>>) semaphore(%run_scoped3A : memref<!tpu.dma_semaphore, #tpu.memory_space<semaphore_mem>>) {add = true}
      %dma_wait3A_46 = arith.constant 0 : i32
      %dma_wait3A_47 = arith.constant 0 : i32
      %dma_wait3A_48 = tpu.memref_slice %arg7[%dma_wait3A_46, %dma_wait3A_47] : memref<10240x128xf32, #tpu.memory_space<vmem_shared>> -> memref<10240x128xf32, #tpu.memory_space<vmem_shared>>
      tpu.wait_indirect_dma semaphore(%run_scoped3A : memref<!tpu.dma_semaphore, #tpu.memory_space<semaphore_mem>>) src(%arg14 : memref<16x128xf32, #tpu.memory_space<vmem>>) dst(%dma_wait3A_48 : memref<10240x128xf32, #tpu.memory_space<vmem_shared>>)
      tpu.yield
    }) : () -> ()
    %barrier3A_38 = arith.constant 0 : index
    tpu.barrier barrier_id(%barrier3A_38)
    %mul3A_39 = arith.constant 640 : i32
    %mul3A_40 = arith.muli %arg1, %mul3A_39 : i32
    %mul3A_41 = arith.constant 640 : i32
    %mul3A_42 = arith.muli %arg1, %mul3A_41 : i32
    "tpu.region"() ({
      %run_scoped3A = tpu.sem_alloc : memref<!tpu.dma_semaphore, #tpu.memory_space<semaphore_mem>>
      %dma_start3A_43 = arith.constant 0 : i32
      %dma_start3A_44 = tpu.memref_slice %arg6[%arg0, %mul3A_42, %dma_start3A_43] : memref<2x10240x128xf32, #tpu.memory_space<hbm>> -> memref<1x640x128xf32, #tpu.memory_space<hbm>>
      %dma_start3A_45 = tpu.memref_squeeze %dma_start3A_44 : memref<1x640x128xf32, #tpu.memory_space<hbm>> -> memref<640x128xf32, #tpu.memory_space<hbm>>
      %dma_start3A_46 = arith.constant 0 : i32
      %dma_start3A_47 = tpu.memref_slice %arg7[%mul3A_40, %dma_start3A_46] : memref<10240x128xf32, #tpu.memory_space<vmem_shared>> -> memref<640x128xf32, #tpu.memory_space<vmem_shared>>
      tpu.enqueue_dma source(%dma_start3A_47 : memref<640x128xf32, #tpu.memory_space<vmem_shared>>) target(%dma_start3A_45 : memref<640x128xf32, #tpu.memory_space<hbm>>) target_semaphore(%run_scoped3A : memref<!tpu.dma_semaphore, #tpu.memory_space<semaphore_mem>>)
      %dma_wait3A_48 = arith.constant 0 : i32
      %dma_wait3A_49 = tpu.memref_slice %arg6[%arg0, %mul3A_42, %dma_wait3A_48] : memref<2x10240x128xf32, #tpu.memory_space<hbm>> -> memref<1x640x128xf32, #tpu.memory_space<hbm>>
      %dma_wait3A_50 = tpu.memref_squeeze %dma_wait3A_49 : memref<1x640x128xf32, #tpu.memory_space<hbm>> -> memref<640x128xf32, #tpu.memory_space<hbm>>
      %dma_wait3A_51 = arith.constant 0 : i32
      %dma_wait3A_52 = tpu.memref_slice %arg7[%mul3A_40, %dma_wait3A_51] : memref<10240x128xf32, #tpu.memory_space<vmem_shared>> -> memref<640x128xf32, #tpu.memory_space<vmem_shared>>
      tpu.wait_dma2 semaphore(%run_scoped3A : memref<!tpu.dma_semaphore, #tpu.memory_space<semaphore_mem>>) src(%dma_wait3A_52 : memref<640x128xf32, #tpu.memory_space<vmem_shared>>) dst(%dma_wait3A_50 : memref<640x128xf32, #tpu.memory_space<hbm>>)
      tpu.yield
    }) : () -> ()
    return
  }
}

#map = affine_map<(d0, d1) -> (0, 0)>
#map1 = affine_map<(d0, d1) -> (0)>
#map2 = affine_map<(d0, d1) -> (0, 0, 0)>
module attributes {stable_mosaic.version = 14 : i64} {
  func.func @_edge_kernel(%arg0: i32, %arg1: i32, %arg2: memref<10240x128xf32, #tpu.memory_space<hbm>>, %arg3: memref<320000xi32, #tpu.memory_space<hbm>>, %arg4: memref<320000xi32, #tpu.memory_space<hbm>>, %arg5: memref<10240x128xf32, #tpu.memory_space<hbm>>, %arg6: memref<2x10240x128xf32, #tpu.memory_space<hbm>>, %arg7: memref<10240x128xf32, #tpu.memory_space<vmem_shared>>, %arg8: memref<10000xi32, #tpu.memory_space<vmem>>, %arg9: memref<128xi32, #tpu.memory_space<vmem>>, %arg10: memref<128xi32, #tpu.memory_space<vmem>>, %arg11: memref<16xi32, #tpu.memory_space<vmem>>, %arg12: memref<128x128xf32, #tpu.memory_space<vmem>>, %arg13: memref<128x128xf32, #tpu.memory_space<vmem>>, %arg14: memref<16x128xf32, #tpu.memory_space<vmem>>, %arg15: memref<!tpu.dma_semaphore, #tpu.memory_space<semaphore_mem>>, %arg16: memref<!tpu.dma_semaphore, #tpu.memory_space<semaphore_mem>>, %arg17: memref<!tpu.dma_semaphore, #tpu.memory_space<semaphore_mem>>, %arg18: memref<!tpu.dma_semaphore, #tpu.memory_space<semaphore_mem>>, %arg19: memref<!tpu.dma_semaphore, #tpu.memory_space<semaphore_mem>>) attributes {dimension_semantics = [#tpu.dimension_semantics<core_parallel>, #tpu.dimension_semantics<subcore_parallel>], iteration_bounds = array<i64: 2, 16>, scalar_prefetch = 0 : i64, scratch_operands = 13 : i64, tpu.core_type = #tpu.core_type<sc_vector_subcore>, window_params = [{transform_indices = #map}, {transform_indices = #map1}, {transform_indices = #map1}, {transform_indices = #map}, {transform_indices = #map2}]} {
    %mul3A = arith.constant 16 : i32
    %mul3A_0 = arith.muli %arg0, %mul3A : i32
    %add3A = arith.addi %mul3A_0, %arg1 : i32
    %mul3A_1 = arith.constant 10000 : i32
    %mul3A_2 = arith.muli %add3A, %mul3A_1 : i32
    "tpu.region"() ({
      %run_scoped3A = tpu.sem_alloc : memref<!tpu.dma_semaphore, #tpu.memory_space<semaphore_mem>>
      %dma_start3A_43 = tpu.memref_slice %arg3[%mul3A_2] : memref<320000xi32, #tpu.memory_space<hbm>> -> memref<10000xi32, #tpu.memory_space<hbm>>
      %dma_start3A_44 = tpu.memref_slice %arg3[%mul3A_2] : memref<320000xi32, #tpu.memory_space<hbm>> -> memref<10000xi32, #tpu.memory_space<hbm>>
      tpu.enqueue_dma source(%dma_start3A_44 : memref<10000xi32, #tpu.memory_space<hbm>>) target(%arg8 : memref<10000xi32, #tpu.memory_space<vmem>>) target_semaphore(%run_scoped3A : memref<!tpu.dma_semaphore, #tpu.memory_space<semaphore_mem>>)
      %dma_wait3A_45 = tpu.memref_slice %arg3[%mul3A_2] : memref<320000xi32, #tpu.memory_space<hbm>> -> memref<10000xi32, #tpu.memory_space<hbm>>
      %dma_wait3A_46 = tpu.memref_slice %arg3[%mul3A_2] : memref<320000xi32, #tpu.memory_space<hbm>> -> memref<10000xi32, #tpu.memory_space<hbm>>
      tpu.wait_dma2 semaphore(%run_scoped3A : memref<!tpu.dma_semaphore, #tpu.memory_space<semaphore_mem>>) src(%dma_wait3A_46 : memref<10000xi32, #tpu.memory_space<hbm>>) dst(%arg8 : memref<10000xi32, #tpu.memory_space<vmem>>)
      tpu.yield
    }) : () -> ()
    %mul3A_3 = arith.constant 640 : i32
    %mul3A_4 = arith.muli %arg1, %mul3A_3 : i32
    %mul3A_5 = arith.constant 640 : i32
    %mul3A_6 = arith.muli %arg1, %mul3A_5 : i32
    "tpu.region"() ({
      %run_scoped3A = tpu.sem_alloc : memref<!tpu.dma_semaphore, #tpu.memory_space<semaphore_mem>>
      %dma_start3A_43 = arith.constant 0 : i32
      %dma_start3A_44 = tpu.memref_slice %arg7[%mul3A_6, %dma_start3A_43] : memref<10240x128xf32, #tpu.memory_space<vmem_shared>> -> memref<640x128xf32, #tpu.memory_space<vmem_shared>>
      %dma_start3A_45 = arith.constant 0 : i32
      %dma_start3A_46 = tpu.memref_slice %arg5[%mul3A_4, %dma_start3A_45] : memref<10240x128xf32, #tpu.memory_space<hbm>> -> memref<640x128xf32, #tpu.memory_space<hbm>>
      tpu.enqueue_dma source(%dma_start3A_46 : memref<640x128xf32, #tpu.memory_space<hbm>>) target(%dma_start3A_44 : memref<640x128xf32, #tpu.memory_space<vmem_shared>>) target_semaphore(%run_scoped3A : memref<!tpu.dma_semaphore, #tpu.memory_space<semaphore_mem>>)
      %dma_wait3A_47 = arith.constant 0 : i32
      %dma_wait3A_48 = tpu.memref_slice %arg7[%mul3A_6, %dma_wait3A_47] : memref<10240x128xf32, #tpu.memory_space<vmem_shared>> -> memref<640x128xf32, #tpu.memory_space<vmem_shared>>
      %dma_wait3A_49 = arith.constant 0 : i32
      %dma_wait3A_50 = tpu.memref_slice %arg5[%mul3A_4, %dma_wait3A_49] : memref<10240x128xf32, #tpu.memory_space<hbm>> -> memref<640x128xf32, #tpu.memory_space<hbm>>
      tpu.wait_dma2 semaphore(%run_scoped3A : memref<!tpu.dma_semaphore, #tpu.memory_space<semaphore_mem>>) src(%dma_wait3A_50 : memref<640x128xf32, #tpu.memory_space<hbm>>) dst(%dma_wait3A_48 : memref<640x128xf32, #tpu.memory_space<vmem_shared>>)
      tpu.yield
    }) : () -> ()
    %barrier3A = arith.constant 0 : index
    tpu.barrier barrier_id(%barrier3A)
    %dma_start3A = arith.constant 0 : i32
    %dma_start3A_7 = tpu.memref_slice %arg8[%dma_start3A] : memref<10000xi32, #tpu.memory_space<vmem>> -> memref<128xi32, #tpu.memory_space<vmem>>
    %dma_start3A_8 = arith.constant 0 : i32
    %dma_start3A_9 = arith.constant 0 : i32
    %dma_start3A_10 = tpu.memref_slice %arg2[%dma_start3A_8, %dma_start3A_9] : memref<10240x128xf32, #tpu.memory_space<hbm>> -> memref<10240x128xf32, #tpu.memory_space<hbm>>
    tpu.enqueue_indirect_dma source(%dma_start3A_10 : memref<10240x128xf32, #tpu.memory_space<hbm>>) target(%arg12 : memref<128x128xf32, #tpu.memory_space<vmem>>) offsets(%dma_start3A_7 : memref<128xi32, #tpu.memory_space<vmem>>) semaphore(%arg15 : memref<!tpu.dma_semaphore, #tpu.memory_space<semaphore_mem>>)
    %add3A_11 = arith.constant 0 : i32
    %add3A_12 = arith.addi %mul3A_2, %add3A_11 : i32
    %dma_start3A_13 = tpu.memref_slice %arg4[%add3A_12] : memref<320000xi32, #tpu.memory_space<hbm>> -> memref<128xi32, #tpu.memory_space<hbm>>
    %dma_start3A_14 = tpu.memref_slice %arg4[%add3A_12] : memref<320000xi32, #tpu.memory_space<hbm>> -> memref<128xi32, #tpu.memory_space<hbm>>
    tpu.enqueue_dma source(%dma_start3A_14 : memref<128xi32, #tpu.memory_space<hbm>>) target(%arg9 : memref<128xi32, #tpu.memory_space<vmem>>) target_semaphore(%arg17 : memref<!tpu.dma_semaphore, #tpu.memory_space<semaphore_mem>>)
    %dma_start3A_15 = arith.constant 9984 : i32
    %dma_start3A_16 = tpu.memref_slice %arg8[%dma_start3A_15] : memref<10000xi32, #tpu.memory_space<vmem>> -> memref<16xi32, #tpu.memory_space<vmem>>
    %dma_start3A_17 = arith.constant 0 : i32
    %dma_start3A_18 = arith.constant 0 : i32
    %dma_start3A_19 = tpu.memref_slice %arg2[%dma_start3A_17, %dma_start3A_18] : memref<10240x128xf32, #tpu.memory_space<hbm>> -> memref<10240x128xf32, #tpu.memory_space<hbm>>
    tpu.enqueue_indirect_dma source(%dma_start3A_19 : memref<10240x128xf32, #tpu.memory_space<hbm>>) target(%arg14 : memref<16x128xf32, #tpu.memory_space<vmem>>) offsets(%dma_start3A_16 : memref<16xi32, #tpu.memory_space<vmem>>) semaphore(%arg19 : memref<!tpu.dma_semaphore, #tpu.memory_space<semaphore_mem>>)
    %add3A_20 = arith.constant 9984 : i32
    %add3A_21 = arith.addi %mul3A_2, %add3A_20 : i32
    %dma_start3A_22 = tpu.memref_slice %arg4[%add3A_21] : memref<320000xi32, #tpu.memory_space<hbm>> -> memref<16xi32, #tpu.memory_space<hbm>>
    %dma_start3A_23 = tpu.memref_slice %arg4[%add3A_21] : memref<320000xi32, #tpu.memory_space<hbm>> -> memref<16xi32, #tpu.memory_space<hbm>>
    tpu.enqueue_dma source(%dma_start3A_23 : memref<16xi32, #tpu.memory_space<hbm>>) target(%arg11 : memref<16xi32, #tpu.memory_space<vmem>>) target_semaphore(%arg19 : memref<!tpu.dma_semaphore, #tpu.memory_space<semaphore_mem>>)
    %scan3A = arith.constant 0 : i32
    %scan3A_24 = arith.constant 0 : i32
    %scan3A_25 = arith.constant 39 : i32
    %scan3A_26 = arith.addi %scan3A_24, %scan3A_25 : i32
    %scan3A_27 = arith.constant 1 : i32
    scf.for %scan3A_43 = %scan3A_24 to %scan3A_26 step %scan3A_27  : i32 {
      %mul3A_44 = arith.constant 2 : i32
      %mul3A_45 = arith.muli %mul3A_44, %scan3A_43 : i32
      %add3A_46 = arith.constant 1 : i32
      %add3A_47 = arith.addi %mul3A_45, %add3A_46 : i32
      %mul3A_48 = arith.constant 128 : i32
      %mul3A_49 = arith.muli %add3A_47, %mul3A_48 : i32
      %dma_start3A_50 = tpu.memref_slice %arg8[%mul3A_49] : memref<10000xi32, #tpu.memory_space<vmem>> -> memref<128xi32, #tpu.memory_space<vmem>>
      %dma_start3A_51 = arith.constant 0 : i32
      %dma_start3A_52 = arith.constant 0 : i32
      %dma_start3A_53 = tpu.memref_slice %arg2[%dma_start3A_51, %dma_start3A_52] : memref<10240x128xf32, #tpu.memory_space<hbm>> -> memref<10240x128xf32, #tpu.memory_space<hbm>>
      tpu.enqueue_indirect_dma source(%dma_start3A_53 : memref<10240x128xf32, #tpu.memory_space<hbm>>) target(%arg13 : memref<128x128xf32, #tpu.memory_space<vmem>>) offsets(%dma_start3A_50 : memref<128xi32, #tpu.memory_space<vmem>>) semaphore(%arg16 : memref<!tpu.dma_semaphore, #tpu.memory_space<semaphore_mem>>)
      %add3A_54 = arith.constant 1 : i32
      %add3A_55 = arith.addi %mul3A_45, %add3A_54 : i32
      %mul3A_56 = arith.constant 128 : i32
      %mul3A_57 = arith.muli %add3A_55, %mul3A_56 : i32
      %add3A_58 = arith.addi %mul3A_2, %mul3A_57 : i32
      %dma_start3A_59 = tpu.memref_slice %arg4[%add3A_58] : memref<320000xi32, #tpu.memory_space<hbm>> -> memref<128xi32, #tpu.memory_space<hbm>>
      %dma_start3A_60 = tpu.memref_slice %arg4[%add3A_58] : memref<320000xi32, #tpu.memory_space<hbm>> -> memref<128xi32, #tpu.memory_space<hbm>>
      tpu.enqueue_dma source(%dma_start3A_60 : memref<128xi32, #tpu.memory_space<hbm>>) target(%arg10 : memref<128xi32, #tpu.memory_space<vmem>>) target_semaphore(%arg18 : memref<!tpu.dma_semaphore, #tpu.memory_space<semaphore_mem>>)
      %dma_wait3A_61 = arith.constant 0 : i32
      %dma_wait3A_62 = arith.constant 0 : i32
      %dma_wait3A_63 = tpu.memref_slice %arg5[%dma_wait3A_61, %dma_wait3A_62] : memref<10240x128xf32, #tpu.memory_space<hbm>> -> memref<128x128xf32, #tpu.memory_space<hbm>>
      %dma_wait3A_64 = arith.constant 0 : i32
      %dma_wait3A_65 = arith.constant 0 : i32
      %dma_wait3A_66 = tpu.memref_slice %arg5[%dma_wait3A_64, %dma_wait3A_65] : memref<10240x128xf32, #tpu.memory_space<hbm>> -> memref<128x128xf32, #tpu.memory_space<hbm>>
      tpu.wait_dma2 semaphore(%arg15 : memref<!tpu.dma_semaphore, #tpu.memory_space<semaphore_mem>>) src(%dma_wait3A_66 : memref<128x128xf32, #tpu.memory_space<hbm>>) dst(%arg12 : memref<128x128xf32, #tpu.memory_space<vmem>>)
      %dma_wait3A_67 = arith.constant 0 : i32
      %dma_wait3A_68 = tpu.memref_slice %arg4[%dma_wait3A_67] : memref<320000xi32, #tpu.memory_space<hbm>> -> memref<128xi32, #tpu.memory_space<hbm>>
      %dma_wait3A_69 = arith.constant 0 : i32
      %dma_wait3A_70 = tpu.memref_slice %arg4[%dma_wait3A_69] : memref<320000xi32, #tpu.memory_space<hbm>> -> memref<128xi32, #tpu.memory_space<hbm>>
      tpu.wait_dma2 semaphore(%arg17 : memref<!tpu.dma_semaphore, #tpu.memory_space<semaphore_mem>>) src(%dma_wait3A_70 : memref<128xi32, #tpu.memory_space<hbm>>) dst(%arg9 : memref<128xi32, #tpu.memory_space<vmem>>)
      "tpu.region"() ({
        %run_scoped3A = tpu.sem_alloc : memref<!tpu.dma_semaphore, #tpu.memory_space<semaphore_mem>>
        %dma_start3A_83 = arith.constant 0 : i32
        %dma_start3A_84 = arith.constant 0 : i32
        %dma_start3A_85 = tpu.memref_slice %arg7[%dma_start3A_83, %dma_start3A_84] : memref<10240x128xf32, #tpu.memory_space<vmem_shared>> -> memref<10240x128xf32, #tpu.memory_space<vmem_shared>>
        tpu.enqueue_indirect_dma source(%arg12 : memref<128x128xf32, #tpu.memory_space<vmem>>) target(%dma_start3A_85 : memref<10240x128xf32, #tpu.memory_space<vmem_shared>>) offsets(%arg9 : memref<128xi32, #tpu.memory_space<vmem>>) semaphore(%run_scoped3A : memref<!tpu.dma_semaphore, #tpu.memory_space<semaphore_mem>>) {add = true}
        %dma_wait3A_86 = arith.constant 0 : i32
        %dma_wait3A_87 = arith.constant 0 : i32
        %dma_wait3A_88 = tpu.memref_slice %arg7[%dma_wait3A_86, %dma_wait3A_87] : memref<10240x128xf32, #tpu.memory_space<vmem_shared>> -> memref<10240x128xf32, #tpu.memory_space<vmem_shared>>
        tpu.wait_indirect_dma semaphore(%run_scoped3A : memref<!tpu.dma_semaphore, #tpu.memory_space<semaphore_mem>>) src(%arg12 : memref<128x128xf32, #tpu.memory_space<vmem>>) dst(%dma_wait3A_88 : memref<10240x128xf32, #tpu.memory_space<vmem_shared>>)
        tpu.yield
      }) : () -> ()
      %lt3A = arith.constant 38 : i32
      %lt3A_71 = arith.cmpi slt, %scan3A_43, %lt3A : i32
      %convert_element_type3A = arith.extui %lt3A_71 : i1 to i32
      %cond3A = arith.constant 0 : i32
      %cond3A_72 = arith.cmpi ne, %convert_element_type3A, %cond3A : i32
      scf.if %cond3A_72 {
        %add3A_83 = arith.constant 2 : i32
        %add3A_84 = arith.addi %mul3A_45, %add3A_83 : i32
        %mul3A_85 = arith.constant 128 : i32
        %mul3A_86 = arith.muli %add3A_84, %mul3A_85 : i32
        %dma_start3A_87 = tpu.memref_slice %arg8[%mul3A_86] : memref<10000xi32, #tpu.memory_space<vmem>> -> memref<128xi32, #tpu.memory_space<vmem>>
        %dma_start3A_88 = arith.constant 0 : i32
        %dma_start3A_89 = arith.constant 0 : i32
        %dma_start3A_90 = tpu.memref_slice %arg2[%dma_start3A_88, %dma_start3A_89] : memref<10240x128xf32, #tpu.memory_space<hbm>> -> memref<10240x128xf32, #tpu.memory_space<hbm>>
        tpu.enqueue_indirect_dma source(%dma_start3A_90 : memref<10240x128xf32, #tpu.memory_space<hbm>>) target(%arg12 : memref<128x128xf32, #tpu.memory_space<vmem>>) offsets(%dma_start3A_87 : memref<128xi32, #tpu.memory_space<vmem>>) semaphore(%arg15 : memref<!tpu.dma_semaphore, #tpu.memory_space<semaphore_mem>>)
        %add3A_91 = arith.constant 2 : i32
        %add3A_92 = arith.addi %mul3A_45, %add3A_91 : i32
        %mul3A_93 = arith.constant 128 : i32
        %mul3A_94 = arith.muli %add3A_92, %mul3A_93 : i32
        %add3A_95 = arith.addi %mul3A_2, %mul3A_94 : i32
        %dma_start3A_96 = tpu.memref_slice %arg4[%add3A_95] : memref<320000xi32, #tpu.memory_space<hbm>> -> memref<128xi32, #tpu.memory_space<hbm>>
        %dma_start3A_97 = tpu.memref_slice %arg4[%add3A_95] : memref<320000xi32, #tpu.memory_space<hbm>> -> memref<128xi32, #tpu.memory_space<hbm>>
        tpu.enqueue_dma source(%dma_start3A_97 : memref<128xi32, #tpu.memory_space<hbm>>) target(%arg9 : memref<128xi32, #tpu.memory_space<vmem>>) target_semaphore(%arg17 : memref<!tpu.dma_semaphore, #tpu.memory_space<semaphore_mem>>)
      } else {
      }
      %dma_wait3A_73 = arith.constant 0 : i32
      %dma_wait3A_74 = arith.constant 0 : i32
      %dma_wait3A_75 = tpu.memref_slice %arg5[%dma_wait3A_73, %dma_wait3A_74] : memref<10240x128xf32, #tpu.memory_space<hbm>> -> memref<128x128xf32, #tpu.memory_space<hbm>>
      %dma_wait3A_76 = arith.constant 0 : i32
      %dma_wait3A_77 = arith.constant 0 : i32
      %dma_wait3A_78 = tpu.memref_slice %arg5[%dma_wait3A_76, %dma_wait3A_77] : memref<10240x128xf32, #tpu.memory_space<hbm>> -> memref<128x128xf32, #tpu.memory_space<hbm>>
      tpu.wait_dma2 semaphore(%arg16 : memref<!tpu.dma_semaphore, #tpu.memory_space<semaphore_mem>>) src(%dma_wait3A_78 : memref<128x128xf32, #tpu.memory_space<hbm>>) dst(%arg13 : memref<128x128xf32, #tpu.memory_space<vmem>>)
      %dma_wait3A_79 = arith.constant 0 : i32
      %dma_wait3A_80 = tpu.memref_slice %arg4[%dma_wait3A_79] : memref<320000xi32, #tpu.memory_space<hbm>> -> memref<128xi32, #tpu.memory_space<hbm>>
      %dma_wait3A_81 = arith.constant 0 : i32
      %dma_wait3A_82 = tpu.memref_slice %arg4[%dma_wait3A_81] : memref<320000xi32, #tpu.memory_space<hbm>> -> memref<128xi32, #tpu.memory_space<hbm>>
      tpu.wait_dma2 semaphore(%arg18 : memref<!tpu.dma_semaphore, #tpu.memory_space<semaphore_mem>>) src(%dma_wait3A_82 : memref<128xi32, #tpu.memory_space<hbm>>) dst(%arg10 : memref<128xi32, #tpu.memory_space<vmem>>)
      "tpu.region"() ({
        %run_scoped3A = tpu.sem_alloc : memref<!tpu.dma_semaphore, #tpu.memory_space<semaphore_mem>>
        %dma_start3A_83 = arith.constant 0 : i32
        %dma_start3A_84 = arith.constant 0 : i32
        %dma_start3A_85 = tpu.memref_slice %arg7[%dma_start3A_83, %dma_start3A_84] : memref<10240x128xf32, #tpu.memory_space<vmem_shared>> -> memref<10240x128xf32, #tpu.memory_space<vmem_shared>>
        tpu.enqueue_indirect_dma source(%arg13 : memref<128x128xf32, #tpu.memory_space<vmem>>) target(%dma_start3A_85 : memref<10240x128xf32, #tpu.memory_space<vmem_shared>>) offsets(%arg10 : memref<128xi32, #tpu.memory_space<vmem>>) semaphore(%run_scoped3A : memref<!tpu.dma_semaphore, #tpu.memory_space<semaphore_mem>>) {add = true}
        %dma_wait3A_86 = arith.constant 0 : i32
        %dma_wait3A_87 = arith.constant 0 : i32
        %dma_wait3A_88 = tpu.memref_slice %arg7[%dma_wait3A_86, %dma_wait3A_87] : memref<10240x128xf32, #tpu.memory_space<vmem_shared>> -> memref<10240x128xf32, #tpu.memory_space<vmem_shared>>
        tpu.wait_indirect_dma semaphore(%run_scoped3A : memref<!tpu.dma_semaphore, #tpu.memory_space<semaphore_mem>>) src(%arg13 : memref<128x128xf32, #tpu.memory_space<vmem>>) dst(%dma_wait3A_88 : memref<10240x128xf32, #tpu.memory_space<vmem_shared>>)
        tpu.yield
      }) : () -> ()
    }
    %scan3A_28 = arith.constant 39 : i32
    %dma_wait3A = arith.constant 0 : i32
    %dma_wait3A_29 = arith.constant 0 : i32
    %dma_wait3A_30 = tpu.memref_slice %arg5[%dma_wait3A, %dma_wait3A_29] : memref<10240x128xf32, #tpu.memory_space<hbm>> -> memref<16x128xf32, #tpu.memory_space<hbm>>
    %dma_wait3A_31 = arith.constant 0 : i32
    %dma_wait3A_32 = arith.constant 0 : i32
    %dma_wait3A_33 = tpu.memref_slice %arg5[%dma_wait3A_31, %dma_wait3A_32] : memref<10240x128xf32, #tpu.memory_space<hbm>> -> memref<16x128xf32, #tpu.memory_space<hbm>>
    tpu.wait_dma2 semaphore(%arg19 : memref<!tpu.dma_semaphore, #tpu.memory_space<semaphore_mem>>) src(%dma_wait3A_33 : memref<16x128xf32, #tpu.memory_space<hbm>>) dst(%arg14 : memref<16x128xf32, #tpu.memory_space<vmem>>)
    %dma_wait3A_34 = arith.constant 0 : i32
    %dma_wait3A_35 = tpu.memref_slice %arg4[%dma_wait3A_34] : memref<320000xi32, #tpu.memory_space<hbm>> -> memref<16xi32, #tpu.memory_space<hbm>>
    %dma_wait3A_36 = arith.constant 0 : i32
    %dma_wait3A_37 = tpu.memref_slice %arg4[%dma_wait3A_36] : memref<320000xi32, #tpu.memory_space<hbm>> -> memref<16xi32, #tpu.memory_space<hbm>>
    tpu.wait_dma2 semaphore(%arg19 : memref<!tpu.dma_semaphore, #tpu.memory_space<semaphore_mem>>) src(%dma_wait3A_37 : memref<16xi32, #tpu.memory_space<hbm>>) dst(%arg11 : memref<16xi32, #tpu.memory_space<vmem>>)
    "tpu.region"() ({
      %run_scoped3A = tpu.sem_alloc : memref<!tpu.dma_semaphore, #tpu.memory_space<semaphore_mem>>
      %dma_start3A_43 = arith.constant 0 : i32
      %dma_start3A_44 = arith.constant 0 : i32
      %dma_start3A_45 = tpu.memref_slice %arg7[%dma_start3A_43, %dma_start3A_44] : memref<10240x128xf32, #tpu.memory_space<vmem_shared>> -> memref<10240x128xf32, #tpu.memory_space<vmem_shared>>
      tpu.enqueue_indirect_dma source(%arg14 : memref<16x128xf32, #tpu.memory_space<vmem>>) target(%dma_start3A_45 : memref<10240x128xf32, #tpu.memory_space<vmem_shared>>) offsets(%arg11 : memref<16xi32, #tpu.memory_space<vmem>>) semaphore(%run_scoped3A : memref<!tpu.dma_semaphore, #tpu.memory_space<semaphore_mem>>) {add = true}
      %dma_wait3A_46 = arith.constant 0 : i32
      %dma_wait3A_47 = arith.constant 0 : i32
      %dma_wait3A_48 = tpu.memref_slice %arg7[%dma_wait3A_46, %dma_wait3A_47] : memref<10240x128xf32, #tpu.memory_space<vmem_shared>> -> memref<10240x128xf32, #tpu.memory_space<vmem_shared>>
      tpu.wait_indirect_dma semaphore(%run_scoped3A : memref<!tpu.dma_semaphore, #tpu.memory_space<semaphore_mem>>) src(%arg14 : memref<16x128xf32, #tpu.memory_space<vmem>>) dst(%dma_wait3A_48 : memref<10240x128xf32, #tpu.memory_space<vmem_shared>>)
      tpu.yield
    }) : () -> ()
    %barrier3A_38 = arith.constant 0 : index
    tpu.barrier barrier_id(%barrier3A_38)
    %mul3A_39 = arith.constant 640 : i32
    %mul3A_40 = arith.muli %arg1, %mul3A_39 : i32
    %mul3A_41 = arith.constant 640 : i32
    %mul3A_42 = arith.muli %arg1, %mul3A_41 : i32
    "tpu.region"() ({
      %run_scoped3A = tpu.sem_alloc : memref<!tpu.dma_semaphore, #tpu.memory_space<semaphore_mem>>
      %dma_start3A_43 = arith.constant 0 : i32
      %dma_start3A_44 = tpu.memref_slice %arg6[%arg0, %mul3A_42, %dma_start3A_43] : memref<2x10240x128xf32, #tpu.memory_space<hbm>> -> memref<1x640x128xf32, #tpu.memory_space<hbm>>
      %dma_start3A_45 = tpu.memref_squeeze %dma_start3A_44 : memref<1x640x128xf32, #tpu.memory_space<hbm>> -> memref<640x128xf32, #tpu.memory_space<hbm>>
      %dma_start3A_46 = arith.constant 0 : i32
      %dma_start3A_47 = tpu.memref_slice %arg7[%mul3A_40, %dma_start3A_46] : memref<10240x128xf32, #tpu.memory_space<vmem_shared>> -> memref<640x128xf32, #tpu.memory_space<vmem_shared>>
      tpu.enqueue_dma source(%dma_start3A_47 : memref<640x128xf32, #tpu.memory_space<vmem_shared>>) target(%dma_start3A_45 : memref<640x128xf32, #tpu.memory_space<hbm>>) target_semaphore(%run_scoped3A : memref<!tpu.dma_semaphore, #tpu.memory_space<semaphore_mem>>)
      %dma_wait3A_48 = arith.constant 0 : i32
      %dma_wait3A_49 = tpu.memref_slice %arg6[%arg0, %mul3A_42, %dma_wait3A_48] : memref<2x10240x128xf32, #tpu.memory_space<hbm>> -> memref<1x640x128xf32, #tpu.memory_space<hbm>>
      %dma_wait3A_50 = tpu.memref_squeeze %dma_wait3A_49 : memref<1x640x128xf32, #tpu.memory_space<hbm>> -> memref<640x128xf32, #tpu.memory_space<hbm>>
      %dma_wait3A_51 = arith.constant 0 : i32
      %dma_wait3A_52 = tpu.memref_slice %arg7[%mul3A_40, %dma_wait3A_51] : memref<10240x128xf32, #tpu.memory_space<vmem_shared>> -> memref<640x128xf32, #tpu.memory_space<vmem_shared>>
      tpu.wait_dma2 semaphore(%run_scoped3A : memref<!tpu.dma_semaphore, #tpu.memory_space<semaphore_mem>>) src(%dma_wait3A_52 : memref<640x128xf32, #tpu.memory_space<vmem_shared>>) dst(%dma_wait3A_50 : memref<640x128xf32, #tpu.memory_space<hbm>>)
      tpu.yield
    }) : () -> ()
    return
  }
}

module attributes {stable_mosaic.version = 14 : i64} {
  func.func @_t_split_body(%arg0: memref<2x320000xi32, #tpu.memory_space<vmem>>, %arg1: memref<320000xi32, #tpu.memory_space<vmem>>, %arg2: memref<320000xi32, #tpu.memory_space<vmem>>) attributes {dimension_semantics = [], scalar_prefetch = 0 : i64, scratch_operands = 0 : i64, tpu.core_type = #tpu.core_type<tc>} {
    %get3A = arith.constant 0 : index
    %get3A_0 = arith.constant 0 : index
    %get3A_1 = vector.load %arg0[%get3A, %get3A_0] : memref<2x320000xi32, #tpu.memory_space<vmem>>, vector<1x320000xi32>
    %get3A_2 = vector.shape_cast %get3A_1 : vector<1x320000xi32> to vector<320000xi32>
    %swap3A = arith.constant 0 : index
    %swap3A_3 = vector.load %arg1[%swap3A] : memref<320000xi32, #tpu.memory_space<vmem>>, vector<320000xi32>
    tpu.vector_store %arg1[%swap3A], %get3A_2 {strides = array<i32>} : memref<320000xi32, #tpu.memory_space<vmem>>, vector<320000xi32>,
    %get3A_4 = arith.constant 1 : index
    %get3A_5 = arith.constant 0 : index
    %get3A_6 = vector.load %arg0[%get3A_4, %get3A_5] : memref<2x320000xi32, #tpu.memory_space<vmem>>, vector<1x320000xi32>
    %get3A_7 = vector.shape_cast %get3A_6 : vector<1x320000xi32> to vector<320000xi32>
    %swap3A_8 = arith.constant 0 : index
    %swap3A_9 = vector.load %arg2[%swap3A_8] : memref<320000xi32, #tpu.memory_space<vmem>>, vector<320000xi32>
    tpu.vector_store %arg2[%swap3A_8], %get3A_7 {strides = array<i32>} : memref<320000xi32, #tpu.memory_space<vmem>>, vector<320000xi32>,
    return
  }
}

module attributes {stable_mosaic.version = 14 : i64} {
  func.func @_t_matmul_body(%arg0: i32, %arg1: memref<2560x128xf32, #tpu.memory_space<vmem>>, %arg2: memref<128x128xf32, #tpu.memory_space<vmem>>, %arg3: memref<2560x128xf32, #tpu.memory_space<vmem>>) attributes {dimension_semantics = [#tpu.dimension_semantics<arbitrary>], iteration_bounds = array<i64: 4>, scalar_prefetch = 0 : i64, scratch_operands = 0 : i64, tpu.core_type = #tpu.core_type<tc>, window_params = [{transform_indices = @transform_0, window_bounds = array<i64: 2560, 128>}, {pipeline_mode = #tpu.pipeline_mode<synchronous>, transform_indices = @transform_1, window_bounds = array<i64: 128, 128>}, {transform_indices = @transform_2, window_bounds = array<i64: 2560, 128>}]} {
    %get3A = arith.constant 0 : index
    %get3A_0 = arith.constant 0 : index
    %get3A_1 = vector.load %arg1[%get3A, %get3A_0] : memref<2560x128xf32, #tpu.memory_space<vmem>>, vector<2560x128xf32>
    %get3A_2 = arith.constant 0 : index
    %get3A_3 = arith.constant 0 : index
    %get3A_4 = vector.load %arg2[%get3A_2, %get3A_3] : memref<128x128xf32, #tpu.memory_space<vmem>>, vector<128x128xf32>
    %dot_general3A = arith.constant dense<0.000000e+00> : vector<2560x128xf32>
    %dot_general3A_5 = tpu.matmul %get3A_1, %get3A_4, %dot_general3A {dimension_numbers = #tpu.dot_dimension_numbers<[1], [0], [0], [1], [0, 0, 1, 1], [], []>, transpose_lhs_hint = false} : vector<2560x128xf32>, vector<128x128xf32>, vector<2560x128xf32> -> vector<2560x128xf32>
    %swap3A = arith.constant 0 : index
    %swap3A_6 = arith.constant 0 : index
    %swap3A_7 = vector.load %arg3[%swap3A, %swap3A_6] : memref<2560x128xf32, #tpu.memory_space<vmem>>, vector<2560x128xf32>
    tpu.vector_store %arg3[%swap3A, %swap3A_6], %dot_general3A_5 {strides = array<i32>} : memref<2560x128xf32, #tpu.memory_space<vmem>>, vector<2560x128xf32>,
    return
  }
  func.func @transform_0(%arg0: i32) -> (i32, i32) {
    %c0_i32 = arith.constant 0 : i32
    %c0_i32_0 = arith.constant 0 : i32
    return %arg0, %c0_i32 : i32, i32
  }
  func.func @transform_1(%arg0: i32) -> (i32, i32) {
    %c0_i32 = arith.constant 0 : i32
    %c0_i32_0 = arith.constant 0 : i32
    %c0_i32_1 = arith.constant 0 : i32
    return %c0_i32, %c0_i32_0 : i32, i32
  }
  func.func @transform_2(%arg0: i32) -> (i32, i32) {
    %c0_i32 = arith.constant 0 : i32
    %c0_i32_0 = arith.constant 0 : i32
    return %arg0, %c0_i32 : i32, i32
  }
}

module attributes {stable_mosaic.version = 14 : i64} {
  func.func @_t_scale_body(%arg0: i32, %arg1: memref<2560x128xf32, #tpu.memory_space<vmem>>, %arg2: memref<2x2560x128xf32, #tpu.memory_space<vmem>>, %arg3: memref<2560x128xf32, #tpu.memory_space<vmem>>, %arg4: memref<2560x8xf32, #tpu.memory_space<vmem>>) attributes {dimension_semantics = [#tpu.dimension_semantics<arbitrary>], iteration_bounds = array<i64: 4>, scalar_prefetch = 0 : i64, scratch_operands = 0 : i64, tpu.core_type = #tpu.core_type<tc>, window_params = [{transform_indices = @transform_0, window_bounds = array<i64: 2560, 128>}, {transform_indices = @transform_1, window_bounds = array<i64: 2, 2560, 128>}, {transform_indices = @transform_2, window_bounds = array<i64: 2560, 128>}, {transform_indices = @transform_3, window_bounds = array<i64: 2560, 8>}]} {
    %get3A = arith.constant 0 : index
    %get3A_0 = arith.constant 0 : index
    %get3A_1 = arith.constant 0 : index
    %get3A_2 = vector.load %arg2[%get3A, %get3A_0, %get3A_1] : memref<2x2560x128xf32, #tpu.memory_space<vmem>>, vector<1x2560x1xf32>
    %get3A_3 = vector.shape_cast %get3A_2 : vector<1x2560x1xf32> to vector<2560x1xf32>
    %get3A_4 = arith.constant 1 : index
    %get3A_5 = arith.constant 0 : index
    %get3A_6 = arith.constant 0 : index
    %get3A_7 = vector.load %arg2[%get3A_4, %get3A_5, %get3A_6] : memref<2x2560x128xf32, #tpu.memory_space<vmem>>, vector<1x2560x1xf32>
    %get3A_8 = vector.shape_cast %get3A_7 : vector<1x2560x1xf32> to vector<2560x1xf32>
    %add3A = arith.addf %get3A_3, %get3A_8 : vector<2560x1xf32>
    %add3A_9 = arith.constant 1.000000e+00 : f32
    %add3A_10 = vector.broadcast %add3A_9 : f32 to vector<2560x1xf32>
    %add3A_11 = arith.addf %add3A, %add3A_10 : vector<2560x1xf32>
    %rsqrt3A = math.rsqrt %add3A_11 : vector<2560x1xf32>
    %get3A_12 = arith.constant 0 : index
    %get3A_13 = arith.constant 0 : index
    %get3A_14 = vector.load %arg1[%get3A_12, %get3A_13] : memref<2560x128xf32, #tpu.memory_space<vmem>>, vector<2560x128xf32>
    %mul3A = vector.broadcast %rsqrt3A : vector<2560x1xf32> to vector<2560x128xf32>
    %mul3A_15 = arith.mulf %get3A_14, %mul3A : vector<2560x128xf32>
    %swap3A = arith.constant 0 : index
    %swap3A_16 = arith.constant 0 : index
    %swap3A_17 = vector.load %arg3[%swap3A, %swap3A_16] : memref<2560x128xf32, #tpu.memory_space<vmem>>, vector<2560x128xf32>
    tpu.vector_store %arg3[%swap3A, %swap3A_16], %mul3A_15 {strides = array<i32>} : memref<2560x128xf32, #tpu.memory_space<vmem>>, vector<2560x128xf32>,
    %broadcast_in_dim3A = vector.shape_cast %rsqrt3A : vector<2560x1xf32> to vector<2560x1xf32>
    %broadcast_in_dim3A_18 = vector.broadcast %broadcast_in_dim3A : vector<2560x1xf32> to vector<2560x8xf32>
    %swap3A_19 = arith.constant 0 : index
    %swap3A_20 = arith.constant 0 : index
    %swap3A_21 = vector.load %arg4[%swap3A_19, %swap3A_20] : memref<2560x8xf32, #tpu.memory_space<vmem>>, vector<2560x8xf32>
    tpu.vector_store %arg4[%swap3A_19, %swap3A_20], %broadcast_in_dim3A_18 {strides = array<i32>} : memref<2560x8xf32, #tpu.memory_space<vmem>>, vector<2560x8xf32>,
    return
  }
  func.func @transform_0(%arg0: i32) -> (i32, i32) {
    %c0_i32 = arith.constant 0 : i32
    %c0_i32_0 = arith.constant 0 : i32
    return %arg0, %c0_i32 : i32, i32
  }
  func.func @transform_1(%arg0: i32) -> (i32, i32, i32) {
    %c0_i32 = arith.constant 0 : i32
    %c0_i32_0 = arith.constant 0 : i32
    %c0_i32_1 = arith.constant 0 : i32
    return %c0_i32, %arg0, %c0_i32_0 : i32, i32, i32
  }
  func.func @transform_2(%arg0: i32) -> (i32, i32) {
    %c0_i32 = arith.constant 0 : i32
    %c0_i32_0 = arith.constant 0 : i32
    return %arg0, %c0_i32 : i32, i32
  }
  func.func @transform_3(%arg0: i32) -> (i32, i32) {
    %c0_i32 = arith.constant 0 : i32
    %c0_i32_0 = arith.constant 0 : i32
    return %arg0, %c0_i32 : i32, i32
  }
}

module attributes {stable_mosaic.version = 14 : i64} {
  func.func @_t_mid_body(%arg0: i32, %arg1: memref<2x2560x128xf32, #tpu.memory_space<vmem>>, %arg2: memref<2560x128xf32, #tpu.memory_space<vmem>>, %arg3: memref<2560x8xf32, #tpu.memory_space<vmem>>, %arg4: memref<1x128xf32, #tpu.memory_space<vmem>>, %arg5: memref<128x128xf32, #tpu.memory_space<vmem>>, %arg6: memref<2560x128xf32, #tpu.memory_space<vmem>>) attributes {dimension_semantics = [#tpu.dimension_semantics<arbitrary>], iteration_bounds = array<i64: 4>, scalar_prefetch = 0 : i64, scratch_operands = 0 : i64, tpu.core_type = #tpu.core_type<tc>, window_params = [{transform_indices = @transform_0, window_bounds = array<i64: 2, 2560, 128>}, {transform_indices = @transform_1, window_bounds = array<i64: 2560, 128>}, {transform_indices = @transform_2, window_bounds = array<i64: 2560, 8>}, {pipeline_mode = #tpu.pipeline_mode<synchronous>, transform_indices = @transform_3, window_bounds = array<i64: 1, 128>}, {pipeline_mode = #tpu.pipeline_mode<synchronous>, transform_indices = @transform_4, window_bounds = array<i64: 128, 128>}, {transform_indices = @transform_5, window_bounds = array<i64: 2560, 128>}]} {
    %get3A = arith.constant 0 : index
    %get3A_0 = arith.constant 0 : index
    %get3A_1 = vector.load %arg3[%get3A, %get3A_0] : memref<2560x8xf32, #tpu.memory_space<vmem>>, vector<2560x1xf32>
    %get3A_2 = arith.constant 0 : index
    %get3A_3 = arith.constant 0 : index
    %get3A_4 = arith.constant 0 : index
    %get3A_5 = vector.load %arg1[%get3A_2, %get3A_3, %get3A_4] : memref<2x2560x128xf32, #tpu.memory_space<vmem>>, vector<2x2560x128xf32>
    %slice3A = vector.extract_strided_slice %get3A_5 {offsets = [0, 0, 0], sizes = [1, 2560, 128], strides = [1, 1, 1]} : vector<2x2560x128xf32> to vector<1x2560x128xf32>
    %squeeze3A = vector.shape_cast %slice3A : vector<1x2560x128xf32> to vector<2560x128xf32>
    %slice3A_6 = vector.extract_strided_slice %get3A_5 {offsets = [1, 0, 0], sizes = [1, 2560, 128], strides = [1, 1, 1]} : vector<2x2560x128xf32> to vector<1x2560x128xf32>
    %squeeze3A_7 = vector.shape_cast %slice3A_6 : vector<1x2560x128xf32> to vector<2560x128xf32>
    %add3A = arith.addf %squeeze3A, %squeeze3A_7 : vector<2560x128xf32>
    %get3A_8 = arith.constant 0 : index
    %get3A_9 = arith.constant 0 : index
    %get3A_10 = vector.load %arg2[%get3A_8, %get3A_9] : memref<2560x128xf32, #tpu.memory_space<vmem>>, vector<2560x128xf32>
    %add3A_11 = arith.addf %add3A, %get3A_10 : vector<2560x128xf32>
    %mul3A = vector.broadcast %get3A_1 : vector<2560x1xf32> to vector<2560x128xf32>
    %mul3A_12 = arith.mulf %mul3A, %add3A_11 : vector<2560x128xf32>
    %get3A_13 = arith.constant 0 : index
    %get3A_14 = arith.constant 0 : index
    %get3A_15 = vector.load %arg4[%get3A_13, %get3A_14] : memref<1x128xf32, #tpu.memory_space<vmem>>, vector<1x128xf32>
    %add3A_16 = vector.broadcast %get3A_15 : vector<1x128xf32> to vector<2560x128xf32>
    %add3A_17 = arith.addf %mul3A_12, %add3A_16 : vector<2560x128xf32>
    %max3A = arith.constant 0.000000e+00 : f32
    %max3A_18 = vector.broadcast %max3A : f32 to vector<2560x128xf32>
    %max3A_19 = arith.maximumf %add3A_17, %max3A_18 : vector<2560x128xf32>
    %get3A_20 = arith.constant 0 : index
    %get3A_21 = arith.constant 0 : index
    %get3A_22 = vector.load %arg5[%get3A_20, %get3A_21] : memref<128x128xf32, #tpu.memory_space<vmem>>, vector<128x128xf32>
    %dot_general3A = arith.constant dense<0.000000e+00> : vector<2560x128xf32>
    %dot_general3A_23 = tpu.matmul %max3A_19, %get3A_22, %dot_general3A {dimension_numbers = #tpu.dot_dimension_numbers<[1], [0], [0], [1], [0, 0, 1, 1], [], []>, transpose_lhs_hint = false} : vector<2560x128xf32>, vector<128x128xf32>, vector<2560x128xf32> -> vector<2560x128xf32>
    %mul3A_24 = vector.broadcast %get3A_1 : vector<2560x1xf32> to vector<2560x128xf32>
    %mul3A_25 = arith.mulf %dot_general3A_23, %mul3A_24 : vector<2560x128xf32>
    %swap3A = arith.constant 0 : index
    %swap3A_26 = arith.constant 0 : index
    %swap3A_27 = vector.load %arg6[%swap3A, %swap3A_26] : memref<2560x128xf32, #tpu.memory_space<vmem>>, vector<2560x128xf32>
    tpu.vector_store %arg6[%swap3A, %swap3A_26], %mul3A_25 {strides = array<i32>} : memref<2560x128xf32, #tpu.memory_space<vmem>>, vector<2560x128xf32>,
    return
  }
  func.func @transform_0(%arg0: i32) -> (i32, i32, i32) {
    %c0_i32 = arith.constant 0 : i32
    %c0_i32_0 = arith.constant 0 : i32
    %c0_i32_1 = arith.constant 0 : i32
    return %c0_i32, %arg0, %c0_i32_0 : i32, i32, i32
  }
  func.func @transform_1(%arg0: i32) -> (i32, i32) {
    %c0_i32 = arith.constant 0 : i32
    %c0_i32_0 = arith.constant 0 : i32
    return %arg0, %c0_i32 : i32, i32
  }
  func.func @transform_2(%arg0: i32) -> (i32, i32) {
    %c0_i32 = arith.constant 0 : i32
    %c0_i32_0 = arith.constant 0 : i32
    return %arg0, %c0_i32 : i32, i32
  }
  func.func @transform_3(%arg0: i32) -> (i32, i32) {
    %c0_i32 = arith.constant 0 : i32
    %c0_i32_0 = arith.constant 0 : i32
    %c0_i32_1 = arith.constant 0 : i32
    return %c0_i32, %c0_i32_0 : i32, i32
  }
  func.func @transform_4(%arg0: i32) -> (i32, i32) {
    %c0_i32 = arith.constant 0 : i32
    %c0_i32_0 = arith.constant 0 : i32
    %c0_i32_1 = arith.constant 0 : i32
    return %c0_i32, %c0_i32_0 : i32, i32
  }
  func.func @transform_5(%arg0: i32) -> (i32, i32) {
    %c0_i32 = arith.constant 0 : i32
    %c0_i32_0 = arith.constant 0 : i32
    return %arg0, %c0_i32 : i32, i32
  }
}

module attributes {stable_mosaic.version = 14 : i64} {
  func.func @_t_last_body(%arg0: i32, %arg1: memref<2x1000x128xf32, #tpu.memory_space<vmem>>, %arg2: memref<1000x128xf32, #tpu.memory_space<vmem>>, %arg3: memref<1000x8xf32, #tpu.memory_space<vmem>>, %arg4: memref<1x128xf32, #tpu.memory_space<vmem>>, %arg5: memref<1000x128xf32, #tpu.memory_space<vmem>>) attributes {dimension_semantics = [#tpu.dimension_semantics<arbitrary>], iteration_bounds = array<i64: 10>, scalar_prefetch = 0 : i64, scratch_operands = 0 : i64, tpu.core_type = #tpu.core_type<tc>, window_params = [{transform_indices = @transform_0, window_bounds = array<i64: 2, 1000, 128>}, {transform_indices = @transform_1, window_bounds = array<i64: 1000, 128>}, {transform_indices = @transform_2, window_bounds = array<i64: 1000, 8>}, {pipeline_mode = #tpu.pipeline_mode<synchronous>, transform_indices = @transform_3, window_bounds = array<i64: 1, 128>}, {transform_indices = @transform_4, window_bounds = array<i64: 1000, 128>}]} {
    %get3A = arith.constant 0 : index
    %get3A_0 = arith.constant 0 : index
    %get3A_1 = vector.load %arg3[%get3A, %get3A_0] : memref<1000x8xf32, #tpu.memory_space<vmem>>, vector<1000x1xf32>
    %get3A_2 = arith.constant 0 : index
    %get3A_3 = arith.constant 0 : index
    %get3A_4 = arith.constant 0 : index
    %get3A_5 = vector.load %arg1[%get3A_2, %get3A_3, %get3A_4] : memref<2x1000x128xf32, #tpu.memory_space<vmem>>, vector<2x1000x128xf32>
    %slice3A = vector.extract_strided_slice %get3A_5 {offsets = [0, 0, 0], sizes = [1, 1000, 128], strides = [1, 1, 1]} : vector<2x1000x128xf32> to vector<1x1000x128xf32>
    %squeeze3A = vector.shape_cast %slice3A : vector<1x1000x128xf32> to vector<1000x128xf32>
    %slice3A_6 = vector.extract_strided_slice %get3A_5 {offsets = [1, 0, 0], sizes = [1, 1000, 128], strides = [1, 1, 1]} : vector<2x1000x128xf32> to vector<1x1000x128xf32>
    %squeeze3A_7 = vector.shape_cast %slice3A_6 : vector<1x1000x128xf32> to vector<1000x128xf32>
    %add3A = arith.addf %squeeze3A, %squeeze3A_7 : vector<1000x128xf32>
    %get3A_8 = arith.constant 0 : index
    %get3A_9 = arith.constant 0 : index
    %get3A_10 = vector.load %arg2[%get3A_8, %get3A_9] : memref<1000x128xf32, #tpu.memory_space<vmem>>, vector<1000x128xf32>
    %add3A_11 = arith.addf %add3A, %get3A_10 : vector<1000x128xf32>
    %mul3A = vector.broadcast %get3A_1 : vector<1000x1xf32> to vector<1000x128xf32>
    %mul3A_12 = arith.mulf %mul3A, %add3A_11 : vector<1000x128xf32>
    %get3A_13 = arith.constant 0 : index
    %get3A_14 = arith.constant 0 : index
    %get3A_15 = vector.load %arg4[%get3A_13, %get3A_14] : memref<1x128xf32, #tpu.memory_space<vmem>>, vector<1x128xf32>
    %add3A_16 = vector.broadcast %get3A_15 : vector<1x128xf32> to vector<1000x128xf32>
    %add3A_17 = arith.addf %mul3A_12, %add3A_16 : vector<1000x128xf32>
    %swap3A = arith.constant 0 : index
    %swap3A_18 = arith.constant 0 : index
    %swap3A_19 = vector.load %arg5[%swap3A, %swap3A_18] : memref<1000x128xf32, #tpu.memory_space<vmem>>, vector<1000x128xf32>
    tpu.vector_store %arg5[%swap3A, %swap3A_18], %add3A_17 {strides = array<i32>} : memref<1000x128xf32, #tpu.memory_space<vmem>>, vector<1000x128xf32>,
    return
  }
  func.func @transform_0(%arg0: i32) -> (i32, i32, i32) {
    %c0_i32 = arith.constant 0 : i32
    %c0_i32_0 = arith.constant 0 : i32
    %c0_i32_1 = arith.constant 0 : i32
    return %c0_i32, %arg0, %c0_i32_0 : i32, i32, i32
  }
  func.func @transform_1(%arg0: i32) -> (i32, i32) {
    %c0_i32 = arith.constant 0 : i32
    %c0_i32_0 = arith.constant 0 : i32
    return %arg0, %c0_i32 : i32, i32
  }
  func.func @transform_2(%arg0: i32) -> (i32, i32) {
    %c0_i32 = arith.constant 0 : i32
    %c0_i32_0 = arith.constant 0 : i32
    return %arg0, %c0_i32 : i32, i32
  }
  func.func @transform_3(%arg0: i32) -> (i32, i32) {
    %c0_i32 = arith.constant 0 : i32
    %c0_i32_0 = arith.constant 0 : i32
    %c0_i32_1 = arith.constant 0 : i32
    return %c0_i32, %c0_i32_0 : i32, i32
  }
  func.func @transform_4(%arg0: i32) -> (i32, i32) {
    %c0_i32 = arith.constant 0 : i32
    %c0_i32_0 = arith.constant 0 : i32
    return %arg0, %c0_i32 : i32, i32
  }
}

</mosaic_0001>

<sc_bundles>
// kernel: kernel.12.cloned.1.call-start
scs
__scs_entry_jumppad:
0x0: {  	(pc) =	sbr.rel $0x88, $3  }
0x1: {  	(tag) =	ssettag $0x0;
	lr =	simm.s32 $0x1  }
0x2: {  	[smem:$0x3F99] =	sst lr;
	_ =	strace $0xD0000000  }
0x3: {  	_ = 	snop  }
0x4: {  	_ = 	snop  }
0x5: {  	_ = 	snop  }
0x6: {  	_ = 	snop  }
0x7: {  	_ = 	snop  }
__scs_overlays_trampoline_lowered:
0x8: {  	[smem:$0x3FA8] =	sst s0  }
0x9: {  	[smem:$0x3FA9] =	sst s1  }
0xa: {  	[smem:$0x3FAA] =	sst s2  }
0xb: {  	[smem:$0x3FAB] =	sst s3  }
0xc: {  	[smem:$0x3FAC] =	sst s4  }
0xd: {  	[smem:$0x3FAD] =	sst s5  }
0xe: {  	[smem:$0x3FAE] =	sst s6  }
0xf: {  	[smem:$0x3FAF] =	sst s7  }
0x10: {  	[smem:$0x3FB0] =	sst s8  }
0x11: {  	[smem:$0x3FB1] =	sst s9;
	s0 =	simm.s32 @!p0 $0x0  }
0x12: {  	s1 =	sld [smem:$0x3F97];
	s0 =	simm.s32 @p0 $0x1  }
0x13: {  	[smem:$0x3FB2] =	sst s0;
	s0 =	simm.s32 @!p1 $0x0  }
0x14: {  	s2 =	sld [smem:$0x3F96];
	s0 =	simm.s32 @p1 $0x1  }
0x15: {  	[smem:$0x3FB3] =	sst s0;
	s0 =	simm.s32 @!p2 $0x0  }
0x16: {  	s3 =	sld [smem:$0x3FDB];
	s0 =	simm.s32 @p2 $0x1  }
0x17: {  	s4 =	simm.s32 $0x1BF5;
	[smem:$0x3FB5] =	sst s0  }
0x18: {  	s0 =	sld [smem:$0x3F98];
	_ =	swait.ge [sflag:s4], $0x0  }
0x19: {  	s7 =	sld [smem:$0x3F99]  }
0x1a: {  	s8 =	sadd.s32 $0xFFFFE003, lr  }
0x1b: {  	s9 =	sadd.s32 $0xFFFFFEF7, lr;
	s5 =	simm.s32 $0xFFFFFFFF;
	p2 =	slt.u32 s8, $0xFFFFF086  }
0x1c: {  	p1 =	slt.u32 s9, $0xF7A;
	s5 =	simm.s32 @!p2 $0x0  }
0x1d: {  	s5 =	simm.s32 @p1 $0x1;
	p0 =	seq.s32 s7, s2  }
0x1e: {  	s7 =	smul.u32 @!p0 $0xF7A, s2;
	p2 =	seq.s32 @!p0 s5, $0x0  }
0x1f: {  	s9 =	smul.u32 $0xF7A, s1;
	s8 =	simm.s32 @!p0 $0x1BF5;
	p2 =	por !p2, p0  }
0x20: {  	[sflag:s8] =	ssyncset.s32 @!p0 $0xFFFFF086;
	s6 =	sadd.s32 @!p0 s3, s7;
	s7 =	simm.s32 @!p0 $0x108  }
0x21: {  	s3 =	sadd.s32 s3, s9;
	s6 =	sadd.s32 @!p0 $0x88, s6;
	s7 =	simm.s32 @p2 $0x1082  }
0x22: {  	[simem:s7], [sflag:s8] =	dma.local @!p0 [hbm:s6], $0xF7A  }
0x23: {  	s9 =	sor.u32 $0xD0000000, s2;
	s6 =	simm.s32 $0x108;
	_ =	swait.ge @!p0 [sflag:s8], $0x0  }
0x24: {  	s3 =	sadd.s32 $0x88, s3;
	s6 =	simm.s32 @!p1 $0x1082;
	[sflag:s4] =	ssyncset.s32 $0xFFFFF086  }
0x25: {  	[simem:s6], [sflag:s4] =	dma.local [hbm:s3], $0xF7A  }
0x26: {  	[smem:$0x3F99] =	sst s1;
	(tag) =	ssettag s2;
	_ =	strace s9  }
0x27: {  	s1 =	sld [smem:$0x3FA9]  }
0x28: {  	s2 =	sld [smem:$0x3FAA]  }
0x29: {  	s4 =	sld [smem:$0x3FAC]  }
0x2a: {  	p0 =	seq.s32 s5, $0x0;
	s5 =	sld [smem:$0x3FAD]  }
0x2b: {  	s6 =	sld [smem:$0x3FAE]  }
0x2c: {  	s7 =	sld [smem:$0x3FAF]  }
0x2d: {  	s3 =	simm.s32 $0x108;
	s8 =	sld [smem:$0x3FB0]  }
0x2e: {  	s3 =	simm.s32 @!p0 $0x1082;
	s9 =	sld [smem:$0x3FB1]  }
0x2f: {  	lr =	sadd.s32 s0, s3;
	s0 =	sld [smem:$0x3FA8]  }
0x30: {  	s3 =	sld [smem:$0x3FAB]  }
0x31: {  	[smem:$0x3FB4] =	sst s10  }
0x32: {  	s10 =	sld [smem:$0x3FB2];
	_ =	sdelay $0x3  }
0x33: {  	p0 =	seq.s32 s10, $0x1;
	s10 =	sld [smem:$0x3FB4];
	_ =	sdelay $0x3  }
0x34: {  	[smem:$0x3FB4] =	sst s10  }
0x35: {  	s10 =	sld [smem:$0x3FB3];
	_ =	sdelay $0x3  }
0x36: {  	p1 =	seq.s32 s10, $0x1;
	s10 =	sld [smem:$0x3FB4];
	_ =	sdelay $0x3  }
0x37: {  	[smem:$0x3FB4] =	sst s10  }
0x38: {  	s10 =	sld [smem:$0x3FB5]  }
0x39: {  	_ = 	snop;
	(pc) =	sbr.ind lr, $3  }
0x3a: {  	_ = 	snop  }
0x3b: {  	_ = 	snop  }
0x3c: {  	p2 =	seq.s32 s10, $0x1;
	s10 =	sld [smem:$0x3FB4]  }
0x3d: {  	_ =	shalt  }
0x3e: {  	_ =	shalt  }
0x3f: {  	_ =	shalt  }
0x40: {  	_ =	shalt  }
0x41: {  	_ =	shalt  }
0x42: {  	_ =	shalt  }
0x43: {  	_ =	shalt  }
0x44: {  	_ =	shalt  }
0x45: {  	_ =	shalt  }
0x46: {  	_ =	shalt  }
0x47: {  	_ =	shalt  }
0x48: {  	_ =	shalt  }
0x49: {  	_ =	shalt  }
0x4a: {  	_ =	shalt  }
0x4b: {  	_ =	shalt  }
0x4c: {  	_ =	shalt  }
0x4d: {  	_ =	shalt  }
0x4e: {  	_ =	shalt  }
0x4f: {  	_ =	shalt  }
0x50: {  	_ =	shalt  }
0x51: {  	_ =	shalt  }
0x52: {  	_ =	shalt  }
0x53: {  	_ =	shalt  }
0x54: {  	_ =	shalt  }
0x55: {  	_ =	shalt  }
0x56: {  	_ =	shalt  }
0x57: {  	_ =	shalt  }
0x58: {  	_ =	shalt  }
0x59: {  	_ =	shalt  }
0x5a: {  	_ =	shalt  }
0x5b: {  	_ =	shalt  }
0x5c: {  	_ =	shalt  }
0x5d: {  	_ =	shalt  }
0x5e: {  	_ =	shalt  }
0x5f: {  	_ =	shalt  }
0x60: {  	_ =	shalt  }
0x61: {  	_ =	shalt  }
0x62: {  	_ =	shalt  }
0x63: {  	_ =	shalt  }
0x64: {  	_ =	shalt  }
0x65: {  	_ =	shalt  }
0x66: {  	_ =	shalt  }
0x67: {  	_ =	shalt  }
0x68: {  	_ =	shalt  }
0x69: {  	_ =	shalt  }
0x6a: {  	_ =	shalt  }
0x6b: {  	_ =	shalt  }
0x6c: {  	_ =	shalt  }
0x6d: {  	_ =	shalt  }
0x6e: {  	_ =	shalt  }
0x6f: {  	_ =	shalt  }
0x70: {  	_ =	shalt  }
0x71: {  	_ =	shalt  }
0x72: {  	_ =	shalt  }
0x73: {  	_ =	shalt  }
0x74: {  	_ =	shalt  }
0x75: {  	_ =	shalt  }
0x76: {  	_ =	shalt  }
0x77: {  	_ =	shalt  }
0x78: {  	_ =	shalt  }
0x79: {  	_ =	shalt  }
0x7a: {  	_ =	shalt  }
0x7b: {  	_ =	shalt  }
0x7c: {  	_ =	shalt  }
0x7d: {  	_ =	shalt  }
0x7e: {  	_ =	shalt  }
0x7f: {  	_ =	shalt  }
0x80: {  	_ =	shalt  }
0x81: {  	_ =	shalt  }
0x82: {  	_ =	shalt  }
0x83: {  	_ =	shalt  }
0x84: {  	_ =	shalt  }
0x85: {  	_ =	shalt  }
0x86: {  	_ =	shalt  }
0x87: {  	_ =	shalt  }
.Lfunc_end0:
.L_simem_size_0:
called_computation_lowered:
.L_overlay_start_0:
0x88: {  	s2 =	sld [smem:$0x3FD9]  }
0x89: {  	s3 =	sld [smem:$0x3FFE];
	_ =	sdelay $0x1  }
0x8a: {  	s1 =	srdreg.scid  }
0x8b: {  	s0 =	sand.u32 $0x1, s1  }
0x8c: {  	s17 =	sshll.u32 s0, $0xA;
	s2 =	sadd.s32 s3, s2  }
0x8d: {  	s2 =	sadd.s32 s2, s17  }
0x8e: {  	[smem:$0x3FC0] =	sst s2  }
0x8f: {  	_ = 	snop  }
0x90: {  	s2 =	sld [smem:$0x3FD0];
	(tm) =	ssettm $0x1  }
0x91: {  	s18 =	sld [smem:$0x3FFB];
	_ =	sdelay $0x3  }
0x92: {  	_ =	strace s18  }
0x93: {  	s3 =	sld [smem:$0x3FFC];
	_ =	sdelay $0x3  }
0x94: {  	_ =	strace s3  }
0x95: {  	s3 =	sld [smem:$0x3FFD];
	_ =	sdelay $0x3  }
0x96: {  	_ =	strace s3  }
0x97: {  	_ =	strace $0x8FFFFFFF  }
0x98: {  	s19 =	sld [smem:$0x3FDB];
	_ =	sdelay $0x1  }
0x99: {  	s4 =	simm.s32 $_scs_section_size  }
0x9a: {  	s5 =	simm.s32 $_size__tile_overlayer_lowered;
	s6 =	simm.s32 $_tile_overlayer_lowered  }
0x9b: {  	s22 =	simm.s32 $0x1BFF;
	s21 =	sshll.u32 s6, $0x1;
	s3 =	sadd.s32 s4, s19  }
0x9c: {  	s7 =	simm.s32 $0x0;
	s20 =	sshll.u32 s5, $0x1;
	s5 =	sadd.s32 s21, s3  }
0x9d: {  	[timem:s7], [sflag:s22] =	dma.local [hbm:s5], s20  }
0x9e: {  	_ =	swait.ge [sflag:s22], s20  }
0x9f: {  	s4 =	ssub.s32 $0x0, s20;
	[sflag:s22] =	ssyncset.done $0x0  }
0xa0: {  	[sflag:s22] =	ssyncadd.s32 s4;
	_ =	sdelay $0x1  }
0xa1: {  	s23 =	simm.s32 $0x1B8B  }
0xa2: {  	_ =	swait.ge [sflag:s23], $0x1  }
0xa3: {  	[sflag:s23] =	ssyncset.done $0x0  }
0xa4: {  	s25 =	simm.s32 $0x1B8E;
	s24 =	sld [smem:$0x3FFE];
	[sflag:s23] =	ssyncadd.s32 $0xFFFFFFFF  }
0xa5: {  	s26 =	simm.s32 $execute0_lowered;
	[smem:$0x3FD2] =	sst s25  }
0xa6: {  	s5 =	sshll.u32 s26, $0x1;
	_ =	strace $0x80000046;
	[dreg:$0x1] =	wrdreg $0xFFFFFFFF  }
0xa7: {  	s28 =	simm.s32 $_size_execute0_lowered;
	s3 =	sadd.s32 s3, s5;
	[dreg:$0x0] =	wrdreg $0x0  }
0xa8: {  	s5 =	sshll.u32 s28, $0x1;
	[dreg:$0x2] =	wrdreg s3  }
0xa9: {  	[dreg:$0x3] =	wrdreg s5  }
0xaa: {  	[dreg:$0x4] =	wrdreg $0xC0  }
0xab: {  	_ =	task [dreg:s7], $0x5FFFF  }
0xac: {  	[dreg:$0x1] =	wrdreg $0xFFFFFFFF  }
0xad: {  	[dreg:$0x0] =	wrdreg $0x60  }
0xae: {  	[dreg:$0x2] =	wrdreg s2  }
0xaf: {  	[dreg:$0x3] =	wrdreg s24  }
0xb0: {  	[dreg:$0x4] =	wrdreg $0x0  }
0xb1: {  	[dreg:$0x5] =	wrdreg $0x9  }
0xb2: {  	_ =	task.clear_ibuf [dreg:s7], $0x6FFFF;
	_ =	strace $0x90000046  }
0xb3: {  	s29 =	simm.s32 $0x9;
	_ =	strace $0x80000048  }
0xb4: {  	_ =	swait.ge [sflag:s29], $0x1  }
0xb5: {  	[sflag:s29] =	ssyncadd.s32 $0xFFFFFFFF  }
0xb6: {  	_ =	strace $0x90000048  }
0xb7: {  	_ =	sfence  }
0xb8: {  	s30 =	sld [smem:$0x0];
	_ =	sdelay $0x2  }
0xb9: {  	s31 =	sshll.u32 s1, $0xD;
	s1 =	sshrl.u32 s1, $0x2  }
0xba: {  	s3 =	sand.u32 $0x4000, s31;
	s1 =	sadd.s32 s1, s30  }
0xbb: {  	s0 =	sor.u32 s3, s0;
	s1 =	sshll.u32 s1, $0x11  }
0xbc: {  	s0 =	sor.u32 s1, s0  }
0xbd: {  	s0 =	sadd.s32 $0x8F2B, s0  }
0xbe: {  	[sflag:s0] =	ssyncadd.remote.s32 $0x1  }
0xbf: {  	_ =	sfence.sel $0xFFFF  }
0xc0: {  	[dreg:$0x0] =	wrdreg $0xFFFFFFFF;
	(pc) =	sbr.abs _section_cstart, $3  }
0xc1: {  	[dreg:$0x1] =	wrdreg $0xFFFFFFFF  }
0xc2: {  	_ =	task.clear_ibuf [dreg:s7], $0x2FFFF;
	_ =	strace $0x9FFFFFFF  }
0xc3: {  	(tm) =	ssettm $0x7FFFFFFF  }
tec
execute0_lowered:
.L_overlay_start_1:
0x0: {  	(tag) =	ssettag $0x1  }
0x1: {  	s1 =	rddreg [dreg:$0x0]  }
0x2: {  	s6 =	rddreg [dreg:$0x1]  }
0x3: {  	s3 =	rddreg [dreg:$0x2]  }
0x4: {  	s4 =	simm.s32 $0x0;
	s2 =	stileid.u32;
	s5 =	srdreg.scid  }
0x5: {  	s15 =	simm.s32 $0x4;
	s18 =	simm.s32 $0x14000;
	s19 =	simm.s32 $0x14100  }
0x6: {  	s20 =	simm.s32 $0x14080;
	s21 =	simm.s32 $0x1;
	s7 =	smul.u32 $0x14000, s2  }
0x7: {  	s22 =	simm.s32 $0x80;
	[smem:$0x7FF] =	sst s4;
	s12 =	smul.u32 $0x50000, s2  }
0x8: {  	s8 =	sand.u32 $0x1, s5;
	s5 =	sadd.s32 $0xDA00, s6;
	s29 =	smul.u32 $0x2710, s2  }
0x9: {  	s16 =	sshll.u32 s2, $0x6;
	_ =	strace $0x80000047;
	s9 =	smul.u32 $0x140000, s8  }
0xa: {  	s10 =	sshll.u32 s8, $0x4;
	s24 =	ssub.s32 $0x2, s8;
	s14 =	smul.u32 $0x27100, s8  }
0xb: {  	s16 =	sor.u32 $0x1C04, s16;
	s11 =	sshrl.u32 s7, $0x3;
	s10 =	sor.u32 s2, s10  }
0xc: {  	s25 =	sshrl.u32 s24, $0x1;
	s26 =	sshrl.u32 s12, $0x2;
	s11 =	sadd.s32 s11, s6  }
0xd: {  	s7 =	sadd.s32 s7, s9;
	s23 =	smul.u32 $0x2710, s10;
	s10 =	ssub.s32 s24, s25  }
0xe: {  	s17 =	sadd.s32 s26, s3;
	s30 =	sadd.s32 s29, s14;
	s14 =	simm.s32 $0x14180  }
0xf: {  	s24 =	simm.s32 $0x3;
	s25 =	simm.s32 $0x10;
	s26 =	simm.s32 $0x0  }
0x10: {  	s7 =	sshrl.u32 s7, $0x3;
	s10 =	smax.u32 s10, $0x1;
	s31 =	sadd.s32 $0x80, s30  }
0x11: {  	s12 =	sadd.s32 $0x100, s30;
	s17 =	sshrl.u32 s17, $0x3;
	s13 =	sadd.s32 s7, s6  }
0x12: {  	s28 =	sshrl.u32 s23, $0x3;
	s7 =	sadd.s32 $0xE200, s11;
	s23 =	simm.s32 $0x2  }
0x13: {  	s6 =	sadd.s32 s1, s28;
	s9 =	sadd.s32 $0x36200, s13;
	s13 =	sshrl.u32 s31, $0x3  }
0x14: {  	s8 =	sadd.s32 $0x4E0, s6;
	s11 =	sadd.s32 $0x4D0, s6;
	s13 =	sadd.s32 s13, s1  }
.LBB2_1:
0x15: {  	[tilespmem:s14], [sflag:$0x4] =	stream.linear.gather [hbm4b:s5+s4], $0x4000, $0x38;
	[tilespmem:$0x18180] =	vst v63  }
0x16: {  	_ =	swait.ge [sflag:s15], $0x4000  }
0x17: {  	[sflag:s15] =	ssyncset.done $0x0  }
0x18: {  	[sflag:s15] =	ssyncadd.s32 $0xFFFFC000  }
0x19: {  	[spmem:s17], [sflag:s16] =	dma.local [hbm:s7], $0x2800  }
0x1a: {  	_ =	swait.ge [sflag:s15], $0x2800  }
0x1b: {  	[sflag:s15] =	ssyncset.done $0x0  }
0x1c: {  	[sflag:s15] =	ssyncadd.s32 $0xFFFFD800  }
0x1d: {  	[bflag:$0x0] =	sbarrier.arrive $0xFFFF  }
0x1e: {  	[tilespmem:s18], [sflag:$0x1] =	stream.linear.gather [hbm4b:s6+s4], $0x80, $0x38;
	[tilespmem:$0x18180] =	vst v63  }
0x1f: {  	_ = 	snop  }
0x20: {  	[tilespmem:s19], [sflag:$0x3] =	stream.linear.gather [hbm4b:s8+s4], $0x10, $0x38;
	[tilespmem:$0x18180] =	vst v63  }
0x21: {  	s28 =	sadd.s32 $0x0, s13  }
0x22: {  	[tilespmem:s20], [sflag:$0x2] =	stream.linear.gather [hbm4b:s28+s4], $0x80, $0x38;
	[tilespmem:$0x18180] =	vst v63  }
0x23: {  	_ =	swait.ge [sflag:s21], $0x80  }
0x24: {  	[sflag:s21] =	ssyncset.done $0x0  }
0x25: {  	[sflag:s21] =	ssyncadd.s32 $0xFFFFFF80  }
0x26: {  	[spmem:s3] =	stream.indirect.scatter.add.f32 [tilespmem:s14], [sflag:$0x4], $0x80, s18, s22, $0xb8;
	[tilespmem:$0x18180] =	vst v63  }
0x27: {  	_ =	swait.ge [sflag:s15], $0x4000  }
0x28: {  	s28 =	sshrl.u32 s12, $0x3;
	[sflag:s15] =	ssyncset.done $0x0  }
0x29: {  	s28 =	sadd.s32 s1, s28;
	[sflag:s15] =	ssyncadd.s32 $0xFFFFC000  }
0x2a: {  	[tilespmem:s18], [sflag:$0x1] =	stream.linear.gather [hbm4b:s28+s4], $0x80, $0x38;
	[tilespmem:$0x18180] =	vst v63  }
0x2b: {  	_ =	swait.ge [sflag:s23], $0x80  }
0x2c: {  	[sflag:s23] =	ssyncset.done $0x0  }
0x2d: {  	[sflag:s23] =	ssyncadd.s32 $0xFFFFFF80  }
0x2e: {  	[spmem:s3] =	stream.indirect.scatter.add.f32 [tilespmem:s14], [sflag:$0x4], $0x80, s20, s22, $0xb8;
	[tilespmem:$0x18180] =	vst v63  }
0x2f: {  	s29 =	simm.s32 $0x20;
	_ =	swait.ge [sflag:s15], $0x4000  }
0x30: {  	s30 =	simm.s32 $0x40;
	s28 =	sadd.s32 $0x100, s12;
	[sflag:s15] =	ssyncset.done $0x0  }
.LBB2_2:
0x31: {  	s31 =	sadd.s32 s29, s13  }
0x32: {  	[sflag:s15] =	ssyncadd.s32 $0xFFFFC000;
	s29 =	smov.u32 s30;
	s0 =	sadd.s32 $0x20, s30  }
0x33: {  	[tilespmem:s20], [sflag:$0x2] =	stream.linear.gather [hbm4b:s31+s4], $0x80, $0x38;
	[tilespmem:$0x18180] =	vst v63  }
0x34: {  	p0 =	sne.s32 s30, $0x4A0;
	_ =	swait.ge [sflag:s21], $0x80  }
0x35: {  	[sflag:s21] =	ssyncset.done $0x0  }
0x36: {  	[sflag:s21] =	ssyncadd.s32 $0xFFFFFF80  }
0x37: {  	[spmem:s3] =	stream.indirect.scatter.add.f32 [tilespmem:s14], [sflag:$0x4], $0x80, s18, s22, $0xb8;
	[tilespmem:$0x18180] =	vst v63  }
0x38: {  	_ =	swait.ge [sflag:s15], $0x4000  }
0x39: {  	s30 =	sshrl.u32 s28, $0x3;
	[sflag:s15] =	ssyncset.done $0x0  }
0x3a: {  	s30 =	sadd.s32 s1, s30;
	[sflag:s15] =	ssyncadd.s32 $0xFFFFC000  }
0x3b: {  	[tilespmem:s18], [sflag:$0x1] =	stream.linear.gather [hbm4b:s30+s4], $0x80, $0x38;
	[tilespmem:$0x18180] =	vst v63  }
0x3c: {  	_ =	swait.ge [sflag:s23], $0x80  }
.Ltmp0:
0x3d: {  	[sflag:s23] =	ssyncset.done $0x0;
	(pc) =	sbr.rel @p0 .LBB2_2-.Ltmp0, $4  }
0x3e: {  	[sflag:s23] =	ssyncadd.s32 $0xFFFFFF80  }
0x3f: {  	[spmem:s3] =	stream.indirect.scatter.add.f32 [tilespmem:s14], [sflag:$0x4], $0x80, s20, s22, $0xb8;
	[tilespmem:$0x18180] =	vst v63  }
0x40: {  	_ =	swait.ge [sflag:s15], $0x4000  }
0x41: {  	s28 =	sadd.s32 $0x100, s28;
	s30 =	smov.u32 s0;
	[sflag:s15] =	ssyncset.done $0x0  }
0x42: {  	s0 =	sadd.s32 s29, s13;
	[sflag:s15] =	ssyncadd.s32 $0xFFFFC000  }
0x43: {  	[tilespmem:s20], [sflag:$0x2] =	stream.linear.gather [hbm4b:s0+s4], $0x80, $0x38;
	[tilespmem:$0x18180] =	vst v63  }
0x44: {  	_ =	swait.ge [sflag:s21], $0x80  }
0x45: {  	[sflag:s21] =	ssyncset.done $0x0  }
0x46: {  	[sflag:s21] =	ssyncadd.s32 $0xFFFFFF80  }
0x47: {  	[spmem:s3] =	stream.indirect.scatter.add.f32 [tilespmem:s14], [sflag:$0x4], $0x80, s18, s22, $0xb8;
	[tilespmem:$0x18180] =	vst v63  }
0x48: {  	_ =	swait.ge [sflag:s15], $0x4000  }
0x49: {  	s31 =	sshrl.u32 s28, $0x3;
	[sflag:s15] =	ssyncset.done $0x0  }
0x4a: {  	s0 =	sadd.s32 s1, s31;
	[sflag:s15] =	ssyncadd.s32 $0xFFFFC000  }
0x4b: {  	[tilespmem:s18], [sflag:$0x1] =	stream.linear.gather [hbm4b:s0+s4], $0x80, $0x38;
	[tilespmem:$0x18180] =	vst v63  }
0x4c: {  	_ =	swait.ge [sflag:s23], $0x80  }
0x4d: {  	[sflag:s23] =	ssyncset.done $0x0  }
0x4e: {  	[sflag:s23] =	ssyncadd.s32 $0xFFFFFF80  }
0x4f: {  	[spmem:s3] =	stream.indirect.scatter.add.f32 [tilespmem:s14], [sflag:$0x4], $0x80, s20, s22, $0xb8;
	[tilespmem:$0x18180] =	vst v63  }
0x50: {  	_ =	swait.ge [sflag:s15], $0x4000  }
0x51: {  	[sflag:s15] =	ssyncset.done $0x0  }
0x52: {  	[sflag:s15] =	ssyncadd.s32 $0xFFFFC000  }
0x53: {  	[tilespmem:s20], [sflag:$0x2] =	stream.linear.gather [hbm4b:s11+s4], $0x80, $0x38;
	[tilespmem:$0x18180] =	vst v63  }
0x54: {  	_ =	swait.ge [sflag:s21], $0x80  }
0x55: {  	[sflag:s21] =	ssyncset.done $0x0  }
0x56: {  	[sflag:s21] =	ssyncadd.s32 $0xFFFFFF80  }
0x57: {  	[spmem:s3] =	stream.indirect.scatter.add.f32 [tilespmem:s14], [sflag:$0x4], $0x80, s18, s22, $0xb8;
	[tilespmem:$0x18180] =	vst v63  }
0x58: {  	_ =	swait.ge [sflag:s15], $0x4000  }
0x59: {  	[sflag:s15] =	ssyncset.done $0x0  }
0x5a: {  	[sflag:s15] =	ssyncadd.s32 $0xFFFFC000  }
0x5b: {  	_ =	swait.ge [sflag:s23], $0x80  }
0x5c: {  	[sflag:s23] =	ssyncset.done $0x0  }
0x5d: {  	[sflag:s23] =	ssyncadd.s32 $0xFFFFFF80  }
0x5e: {  	[spmem:s3] =	stream.indirect.scatter.add.f32 [tilespmem:s14], [sflag:$0x4], $0x80, s20, s22, $0xb8;
	[tilespmem:$0x18180] =	vst v63  }
0x5f: {  	_ =	swait.ge [sflag:s15], $0x4000  }
0x60: {  	[sflag:s15] =	ssyncset.done $0x0  }
0x61: {  	[sflag:s15] =	ssyncadd.s32 $0xFFFFC000  }
0x62: {  	_ =	swait.ge [sflag:s24], $0x10  }
0x63: {  	[sflag:s24] =	ssyncset.done $0x0  }
0x64: {  	[sflag:s24] =	ssyncadd.s32 $0xFFFFFFF0  }
0x65: {  	[spmem:s3] =	stream.indirect.scatter.add.f32 [tilespmem:s14], [sflag:$0x4], $0x80, s19, s25, $0xb8;
	[tilespmem:$0x18180] =	vst v63  }
0x66: {  	_ =	swait.ge [sflag:s15], $0x800  }
0x67: {  	s26 =	sadd.s32 $0x1, s26;
	[sflag:s15] =	ssyncset.done $0x0  }
0x68: {  	p0 =	sne.s32 s26, s10;
	[sflag:s15] =	ssyncadd.s32 $0xFFFFF800  }
.Ltmp1:
0x69: {  	[bflag:$0x0] =	sbarrier.arrive $0xFFFF;
	(pc) =	sbr.rel @p0 .LBB2_1-.Ltmp1, $4  }
0x6a: {  	[hbm:s9], [sflag:s16] =	dma.local [spmem:s17], $0x2800  }
0x6b: {  	_ =	swait.ge [sflag:s15], $0x2800  }
0x6c: {  	[sflag:s15] =	ssyncset.done $0x0  }
0x6d: {  	[sflag:s15] =	ssyncadd.s32 $0xFFFFD800  }
0x6e: {  	_ =	sfence.sel $0x180000  }
0x6f: {  	[bflag:$0x0] =	sbarrier.arrive $0xFFFF  }
0x70: {  	_ =	strace $0x90000047  }
0x71: {  	[bflag:$0x2] =	sbarrier.arrive $0xFFFF  }
0x72: {  	p0 =	sne.s32 s2, $0x0;
	s0 =	rddreg [dreg:$0x3]  }
0x73: {  	s0 =	sadd.s32 @!p0 $0x100000, s0  }
0x74: {  	[sflag:s0] =	ssyncadd.tile.s32 @!p0 $0x1;
	_ =	shalt  }
.Lfunc_end2:
_tile_overlayer_lowered:
.L_overlay_start_2:
0x75: {  	(tag) =	ssettag $0x2  }
0x76: {  	s0 =	rddreg [dreg:$0x0];
	s2 =	stileid.u32  }
0x77: {  	s1 =	rddreg [dreg:$0x1];
	p0 =	sne.s32 s2, $0x0  }
0x78: {  	s3 =	rddreg [dreg:$0x2];
	[bflag:$0x3] =	sbarrier.arrive $0xFFFF;
	s2 =	simm.s32 @!p0 $0x1C04  }
0x79: {  	[timem:s3], [sflag:s2] =	dma.local @!p0 [hbm:s0], s1  }
0x7a: {  	s0 =	simm.s32 @!p0 $0x4  }
0x7b: {  	_ =	swait.ge @!p0 [sflag:s0], s1  }
0x7c: {  	s1 =	ssub.s32 @!p0 $0x0, s1;
	[sflag:s0] =	ssyncset.done @!p0 $0x0  }
0x7d: {  	[sflag:s0] =	ssyncadd.s32 @!p0 s1  }
0x7e: {  	[bflag:$0x3] =	sbarrier.arrive $0xFFFF  }
0x7f: {  	_ =	shalt  }

// kernel: kernel.15.cloned.1.call-start
scs
__scs_entry_jumppad:
0x0: {  	(pc) =	sbr.rel $0x88, $3  }
0x1: {  	(tag) =	ssettag $0x0;
	lr =	simm.s32 $0x1  }
0x2: {  	[smem:$0x3F99] =	sst lr;
	_ =	strace $0xD0000000  }
0x3: {  	_ = 	snop  }
0x4: {  	_ = 	snop  }
0x5: {  	_ = 	snop  }
0x6: {  	_ = 	snop  }
0x7: {  	_ = 	snop  }
__scs_overlays_trampoline_lowered:
0x8: {  	[smem:$0x3FA8] =	sst s0  }
0x9: {  	[smem:$0x3FA9] =	sst s1  }
0xa: {  	[smem:$0x3FAA] =	sst s2  }
0xb: {  	[smem:$0x3FAB] =	sst s3  }
0xc: {  	[smem:$0x3FAC] =	sst s4  }
0xd: {  	[smem:$0x3FAD] =	sst s5  }
0xe: {  	[smem:$0x3FAE] =	sst s6  }
0xf: {  	[smem:$0x3FAF] =	sst s7  }
0x10: {  	[smem:$0x3FB0] =	sst s8  }
0x11: {  	[smem:$0x3FB1] =	sst s9;
	s0 =	simm.s32 @!p0 $0x0  }
0x12: {  	s1 =	sld [smem:$0x3F97];
	s0 =	simm.s32 @p0 $0x1  }
0x13: {  	[smem:$0x3FB2] =	sst s0;
	s0 =	simm.s32 @!p1 $0x0  }
0x14: {  	s2 =	sld [smem:$0x3F96];
	s0 =	simm.s32 @p1 $0x1  }
0x15: {  	[smem:$0x3FB3] =	sst s0;
	s0 =	simm.s32 @!p2 $0x0  }
0x16: {  	s3 =	sld [smem:$0x3FDB];
	s0 =	simm.s32 @p2 $0x1  }
0x17: {  	s4 =	simm.s32 $0x1BF5;
	[smem:$0x3FB5] =	sst s0  }
0x18: {  	s0 =	sld [smem:$0x3F98];
	_ =	swait.ge [sflag:s4], $0x0  }
0x19: {  	s7 =	sld [smem:$0x3F99]  }
0x1a: {  	s8 =	sadd.s32 $0xFFFFE003, lr  }
0x1b: {  	s9 =	sadd.s32 $0xFFFFFEF7, lr;
	s5 =	simm.s32 $0xFFFFFFFF;
	p2 =	slt.u32 s8, $0xFFFFF086  }
0x1c: {  	p1 =	slt.u32 s9, $0xF7A;
	s5 =	simm.s32 @!p2 $0x0  }
0x1d: {  	s5 =	simm.s32 @p1 $0x1;
	p0 =	seq.s32 s7, s2  }
0x1e: {  	s7 =	smul.u32 @!p0 $0xF7A, s2;
	p2 =	seq.s32 @!p0 s5, $0x0  }
0x1f: {  	s9 =	smul.u32 $0xF7A, s1;
	s8 =	simm.s32 @!p0 $0x1BF5;
	p2 =	por !p2, p0  }
0x20: {  	[sflag:s8] =	ssyncset.s32 @!p0 $0xFFFFF086;
	s6 =	sadd.s32 @!p0 s3, s7;
	s7 =	simm.s32 @!p0 $0x108  }
0x21: {  	s3 =	sadd.s32 s3, s9;
	s6 =	sadd.s32 @!p0 $0x88, s6;
	s7 =	simm.s32 @p2 $0x1082  }
0x22: {  	[simem:s7], [sflag:s8] =	dma.local @!p0 [hbm:s6], $0xF7A  }
0x23: {  	s9 =	sor.u32 $0xD0000000, s2;
	s6 =	simm.s32 $0x108;
	_ =	swait.ge @!p0 [sflag:s8], $0x0  }
0x24: {  	s3 =	sadd.s32 $0x88, s3;
	s6 =	simm.s32 @!p1 $0x1082;
	[sflag:s4] =	ssyncset.s32 $0xFFFFF086  }
0x25: {  	[simem:s6], [sflag:s4] =	dma.local [hbm:s3], $0xF7A  }
0x26: {  	[smem:$0x3F99] =	sst s1;
	(tag) =	ssettag s2;
	_ =	strace s9  }
0x27: {  	s1 =	sld [smem:$0x3FA9]  }
0x28: {  	s2 =	sld [smem:$0x3FAA]  }
0x29: {  	s4 =	sld [smem:$0x3FAC]  }
0x2a: {  	p0 =	seq.s32 s5, $0x0;
	s5 =	sld [smem:$0x3FAD]  }
0x2b: {  	s6 =	sld [smem:$0x3FAE]  }
0x2c: {  	s7 =	sld [smem:$0x3FAF]  }
0x2d: {  	s3 =	simm.s32 $0x108;
	s8 =	sld [smem:$0x3FB0]  }
0x2e: {  	s3 =	simm.s32 @!p0 $0x1082;
	s9 =	sld [smem:$0x3FB1]  }
0x2f: {  	lr =	sadd.s32 s0, s3;
	s0 =	sld [smem:$0x3FA8]  }
0x30: {  	s3 =	sld [smem:$0x3FAB]  }
0x31: {  	[smem:$0x3FB4] =	sst s10  }
0x32: {  	s10 =	sld [smem:$0x3FB2];
	_ =	sdelay $0x3  }
0x33: {  	p0 =	seq.s32 s10, $0x1;
	s10 =	sld [smem:$0x3FB4];
	_ =	sdelay $0x3  }
0x34: {  	[smem:$0x3FB4] =	sst s10  }
0x35: {  	s10 =	sld [smem:$0x3FB3];
	_ =	sdelay $0x3  }
0x36: {  	p1 =	seq.s32 s10, $0x1;
	s10 =	sld [smem:$0x3FB4];
	_ =	sdelay $0x3  }
0x37: {  	[smem:$0x3FB4] =	sst s10  }
0x38: {  	s10 =	sld [smem:$0x3FB5]  }
0x39: {  	_ = 	snop;
	(pc) =	sbr.ind lr, $3  }
0x3a: {  	_ = 	snop  }
0x3b: {  	_ = 	snop  }
0x3c: {  	p2 =	seq.s32 s10, $0x1;
	s10 =	sld [smem:$0x3FB4]  }
0x3d: {  	_ =	shalt  }
0x3e: {  	_ =	shalt  }
0x3f: {  	_ =	shalt  }
0x40: {  	_ =	shalt  }
0x41: {  	_ =	shalt  }
0x42: {  	_ =	shalt  }
0x43: {  	_ =	shalt  }
0x44: {  	_ =	shalt  }
0x45: {  	_ =	shalt  }
0x46: {  	_ =	shalt  }
0x47: {  	_ =	shalt  }
0x48: {  	_ =	shalt  }
0x49: {  	_ =	shalt  }
0x4a: {  	_ =	shalt  }
0x4b: {  	_ =	shalt  }
0x4c: {  	_ =	shalt  }
0x4d: {  	_ =	shalt  }
0x4e: {  	_ =	shalt  }
0x4f: {  	_ =	shalt  }
0x50: {  	_ =	shalt  }
0x51: {  	_ =	shalt  }
0x52: {  	_ =	shalt  }
0x53: {  	_ =	shalt  }
0x54: {  	_ =	shalt  }
0x55: {  	_ =	shalt  }
0x56: {  	_ =	shalt  }
0x57: {  	_ =	shalt  }
0x58: {  	_ =	shalt  }
0x59: {  	_ =	shalt  }
0x5a: {  	_ =	shalt  }
0x5b: {  	_ =	shalt  }
0x5c: {  	_ =	shalt  }
0x5d: {  	_ =	shalt  }
0x5e: {  	_ =	shalt  }
0x5f: {  	_ =	shalt  }
0x60: {  	_ =	shalt  }
0x61: {  	_ =	shalt  }
0x62: {  	_ =	shalt  }
0x63: {  	_ =	shalt  }
0x64: {  	_ =	shalt  }
0x65: {  	_ =	shalt  }
0x66: {  	_ =	shalt  }
0x67: {  	_ =	shalt  }
0x68: {  	_ =	shalt  }
0x69: {  	_ =	shalt  }
0x6a: {  	_ =	shalt  }
0x6b: {  	_ =	shalt  }
0x6c: {  	_ =	shalt  }
0x6d: {  	_ =	shalt  }
0x6e: {  	_ =	shalt  }
0x6f: {  	_ =	shalt  }
0x70: {  	_ =	shalt  }
0x71: {  	_ =	shalt  }
0x72: {  	_ =	shalt  }
0x73: {  	_ =	shalt  }
0x74: {  	_ =	shalt  }
0x75: {  	_ =	shalt  }
0x76: {  	_ =	shalt  }
0x77: {  	_ =	shalt  }
0x78: {  	_ =	shalt  }
0x79: {  	_ =	shalt  }
0x7a: {  	_ =	shalt  }
0x7b: {  	_ =	shalt  }
0x7c: {  	_ =	shalt  }
0x7d: {  	_ =	shalt  }
0x7e: {  	_ =	shalt  }
0x7f: {  	_ =	shalt  }
0x80: {  	_ =	shalt  }
0x81: {  	_ =	shalt  }
0x82: {  	_ =	shalt  }
0x83: {  	_ =	shalt  }
0x84: {  	_ =	shalt  }
0x85: {  	_ =	shalt  }
0x86: {  	_ =	shalt  }
0x87: {  	_ =	shalt  }
.Lfunc_end0:
.L_simem_size_0:
called_computation.1_lowered:
.L_overlay_start_0:
0x88: {  	s2 =	sld [smem:$0x3FD9]  }
0x89: {  	s3 =	sld [smem:$0x3FFE];
	_ =	sdelay $0x1  }
0x8a: {  	s1 =	srdreg.scid  }
0x8b: {  	s0 =	sand.u32 $0x1, s1  }
0x8c: {  	s17 =	sshll.u32 s0, $0xA;
	s2 =	sadd.s32 s3, s2  }
0x8d: {  	s2 =	sadd.s32 s2, s17  }
0x8e: {  	[smem:$0x3FC0] =	sst s2  }
0x8f: {  	_ = 	snop  }
0x90: {  	s2 =	sld [smem:$0x3FD0];
	(tm) =	ssettm $0x1  }
0x91: {  	s18 =	sld [smem:$0x3FFB];
	_ =	sdelay $0x3  }
0x92: {  	_ =	strace s18  }
0x93: {  	s3 =	sld [smem:$0x3FFC];
	_ =	sdelay $0x3  }
0x94: {  	_ =	strace s3  }
0x95: {  	s3 =	sld [smem:$0x3FFD];
	_ =	sdelay $0x3  }
0x96: {  	_ =	strace s3  }
0x97: {  	_ =	strace $0x8FFFFFFF  }
0x98: {  	s19 =	sld [smem:$0x3FDB];
	_ =	sdelay $0x1  }
0x99: {  	s4 =	simm.s32 $_scs_section_size  }
0x9a: {  	s5 =	simm.s32 $_size__tile_overlayer_lowered;
	s6 =	simm.s32 $_tile_overlayer_lowered  }
0x9b: {  	s22 =	simm.s32 $0x1BFF;
	s21 =	sshll.u32 s6, $0x1;
	s3 =	sadd.s32 s4, s19  }
0x9c: {  	s7 =	simm.s32 $0x0;
	s20 =	sshll.u32 s5, $0x1;
	s5 =	sadd.s32 s21, s3  }
0x9d: {  	[timem:s7], [sflag:s22] =	dma.local [hbm:s5], s20  }
0x9e: {  	_ =	swait.ge [sflag:s22], s20  }
0x9f: {  	s4 =	ssub.s32 $0x0, s20;
	[sflag:s22] =	ssyncset.done $0x0  }
0xa0: {  	[sflag:s22] =	ssyncadd.s32 s4;
	_ =	sdelay $0x1  }
0xa1: {  	s23 =	simm.s32 $0x1B8B  }
0xa2: {  	_ =	swait.ge [sflag:s23], $0x1  }
0xa3: {  	[sflag:s23] =	ssyncset.done $0x0  }
0xa4: {  	s25 =	simm.s32 $0x1B8E;
	s24 =	sld [smem:$0x3FFE];
	[sflag:s23] =	ssyncadd.s32 $0xFFFFFFFF  }
0xa5: {  	s26 =	simm.s32 $execute0_lowered;
	[smem:$0x3FD2] =	sst s25  }
0xa6: {  	s5 =	sshll.u32 s26, $0x1;
	_ =	strace $0x80000049;
	[dreg:$0x1] =	wrdreg $0xFFFFFFFF  }
0xa7: {  	s28 =	simm.s32 $_size_execute0_lowered;
	s3 =	sadd.s32 s3, s5;
	[dreg:$0x0] =	wrdreg $0x0  }
0xa8: {  	s5 =	sshll.u32 s28, $0x1;
	[dreg:$0x2] =	wrdreg s3  }
0xa9: {  	[dreg:$0x3] =	wrdreg s5  }
0xaa: {  	[dreg:$0x4] =	wrdreg $0xC0  }
0xab: {  	_ =	task [dreg:s7], $0x5FFFF  }
0xac: {  	[dreg:$0x1] =	wrdreg $0xFFFFFFFF  }
0xad: {  	[dreg:$0x0] =	wrdreg $0x60  }
0xae: {  	[dreg:$0x2] =	wrdreg s24  }
0xaf: {  	[dreg:$0x3] =	wrdreg s2  }
0xb0: {  	[dreg:$0x4] =	wrdreg $0x0  }
0xb1: {  	[dreg:$0x5] =	wrdreg $0x9  }
0xb2: {  	_ =	task.clear_ibuf [dreg:s7], $0x6FFFF;
	_ =	strace $0x90000049  }
0xb3: {  	s29 =	simm.s32 $0x9;
	_ =	strace $0x8000004B  }
0xb4: {  	_ =	swait.ge [sflag:s29], $0x1  }
0xb5: {  	[sflag:s29] =	ssyncadd.s32 $0xFFFFFFFF  }
0xb6: {  	_ =	strace $0x9000004B  }
0xb7: {  	_ =	sfence  }
0xb8: {  	s30 =	sld [smem:$0x0];
	_ =	sdelay $0x2  }
0xb9: {  	s31 =	sshll.u32 s1, $0xD;
	s1 =	sshrl.u32 s1, $0x2  }
0xba: {  	s3 =	sand.u32 $0x4000, s31;
	s1 =	sadd.s32 s1, s30  }
0xbb: {  	s0 =	sor.u32 s3, s0;
	s1 =	sshll.u32 s1, $0x11  }
0xbc: {  	s0 =	sor.u32 s1, s0  }
0xbd: {  	s0 =	sadd.s32 $0x8F2B, s0  }
0xbe: {  	[sflag:s0] =	ssyncadd.remote.s32 $0x1  }
0xbf: {  	_ =	sfence.sel $0xFFFF  }
0xc0: {  	[dreg:$0x0] =	wrdreg $0xFFFFFFFF;
	(pc) =	sbr.abs _section_cstart, $3  }
0xc1: {  	[dreg:$0x1] =	wrdreg $0xFFFFFFFF  }
0xc2: {  	_ =	task.clear_ibuf [dreg:s7], $0x2FFFF;
	_ =	strace $0x9FFFFFFF  }
0xc3: {  	(tm) =	ssettm $0x7FFFFFFF  }
tec
execute0_lowered:
.L_overlay_start_1:
0x0: {  	(tag) =	ssettag $0x1  }
0x1: {  	s1 =	rddreg [dreg:$0x0]  }
0x2: {  	s0 =	srdreg.scid;
	s2 =	rddreg [dreg:$0x1]  }
0x3: {  	s14 =	stileid.u32;
	s3 =	rddreg [dreg:$0x2];
	s15 =	simm.s32 $0x14000  }
0x4: {  	s16 =	simm.s32 $0x6;
	s28 =	simm.s32 $0x16800;
	s6 =	smul.u32 $0x14000, s14  }
0x5: {  	s29 =	simm.s32 $0x1;
	s30 =	simm.s32 $0x3;
	s19 =	smul.u32 $0x50000, s14  }
0x6: {  	s31 =	simm.s32 $0x2;
	s0 =	sand.u32 $0x1, s0;
	s12 =	smul.u32 $0x2710, s14  }
0x7: {  	s26 =	sshll.u32 s14, $0x6;
	s4 =	sshll.u32 s0, $0x4;
	s8 =	smul.u32 $0x140000, s0  }
0x8: {  	s11 =	ssub.s32 $0x2, s0;
	s0 =	smul.u32 $0x27100, s0;
	s17 =	sor.u32 $0x1C06, s26  }
0x9: {  	s26 =	simm.s32 $0x1A900;
	s5 =	sor.u32 s14, s4;
	s4 =	simm.s32 $0x0  }
0xa: {  	s10 =	sshrl.u32 s6, $0x3;
	s20 =	sshrl.u32 s11, $0x1;
	s5 =	smul.u32 $0x2710, s5  }
0xb: {  	[smem:$0x7FF] =	sst s4;
	s10 =	sadd.s32 s10, s1;
	s6 =	sadd.s32 s6, s8  }
0xc: {  	s8 =	sshrl.u32 s19, $0x2;
	s0 =	sadd.s32 s12, s0;
	s19 =	simm.s32 $0x80  }
0xd: {  	_ =	strace $0x8000004A;
	s6 =	sshrl.u32 s6, $0x3;
	s8 =	sadd.s32 s8, s3  }
0xe: {  	s21 =	sadd.s32 $0xE200, s10;
	s23 =	sadd.s32 $0x80, s0;
	s7 =	sshrl.u32 s5, $0x3  }
0xf: {  	s5 =	sadd.s32 $0x36200, s1;
	[dreg:$0x5] =	wrdreg s21;
	s25 =	sshrl.u32 s23, $0x3  }
0x10: {  	s18 =	sshrl.u32 s8, $0x3;
	s21 =	simm.s32 $0x16780;
	s23 =	simm.s32 $0x5  }
0x11: {  	s9 =	sadd.s32 s7, s1;
	s1 =	sadd.s32 s6, s1;
	s6 =	ssub.s32 s11, s20  }
0x12: {  	s7 =	sadd.s32 s2, s7;
	s13 =	sadd.s32 s25, s2;
	s9 =	sadd.s32 $0x3C00, s9  }
0x13: {  	s20 =	simm.s32 $0x16900;
	s22 =	sadd.s32 $0x4E0, s7;
	[dreg:$0x4] =	wrdreg s9  }
0x14: {  	s25 =	simm.s32 $0x16880;
	s1 =	sadd.s32 $0x5E200, s1;
	[dreg:$0x6] =	wrdreg s22  }
0x15: {  	s24 =	smax.u32 s6, $0x1;
	s12 =	sadd.s32 $0x4D0, s7;
	[dreg:$0x7] =	wrdreg s1  }
0x16: {  	[dreg:$0x8] =	wrdreg s24;
	s9 =	sadd.s32 $0x100, s0;
	s22 =	simm.s32 $0x10  }
0x17: {  	s24 =	simm.s32 $0x1E900;
	s1 =	simm.s32 $0x4;
	s0 =	simm.s32 $0x0  }
.LBB2_1:
0x18: {  	s6 =	rddreg [dreg:$0x4]  }
0x19: {  	[tilespmem:s15], [sflag:$0x6] =	stream.linear.gather [hbm4b:s6+s4], $0x2710, $0x38;
	[tilespmem:$0x1F100] =	vst v63  }
0x1a: {  	_ =	swait.ge [sflag:s16], $0x2710  }
0x1b: {  	[sflag:s16] =	ssyncset.done $0x0  }
0x1c: {  	s14 =	rddreg [dreg:$0x5];
	[sflag:s16] =	ssyncadd.s32 $0xFFFFD8F0  }
0x1d: {  	[spmem:s18], [sflag:s17] =	dma.local [hbm:s14], $0x2800  }
0x1e: {  	_ =	swait.ge [sflag:s16], $0x2800  }
0x1f: {  	[sflag:s16] =	ssyncset.done $0x0  }
0x20: {  	[sflag:s16] =	ssyncadd.s32 $0xFFFFD800  }
0x21: {  	[bflag:$0x0] =	sbarrier.arrive $0xFFFF  }
0x22: {  	[tilespmem:s20], [sflag:$0x1] =	stream.indirect.gather [hbm4b:s5+s19], $0x80, s15, s19, $0xb8;
	[tilespmem:$0x1F100] =	vst v63  }
0x23: {  	_ = 	snop  }
0x24: {  	[tilespmem:s21], [sflag:$0x3] =	stream.linear.gather [hbm4b:s7+s4], $0x80, $0x38;
	[tilespmem:$0x1F100] =	vst v63  }
0x25: {  	s8 =	simm.s32 $0x16700  }
0x26: {  	[tilespmem:s24], [sflag:$0x5] =	stream.indirect.gather [hbm4b:s5+s22], $0x80, s8, s22, $0xb8;
	[tilespmem:$0x1F100] =	vst v63  }
0x27: {  	s10 =	rddreg [dreg:$0x6]  }
0x28: {  	[tilespmem:s25], [sflag:$0x5] =	stream.linear.gather [hbm4b:s10+s4], $0x10, $0x38;
	[tilespmem:$0x1F100] =	vst v63  }
0x29: {  	s6 =	simm.s32 $0x14080  }
0x2a: {  	[tilespmem:s26], [sflag:$0x2] =	stream.indirect.gather [hbm4b:s5+s19], $0x80, s6, s19, $0xb8;
	[tilespmem:$0x1F100] =	vst v63  }
0x2b: {  	s8 =	sadd.s32 $0x0, s13  }
0x2c: {  	[tilespmem:s28], [sflag:$0x4] =	stream.linear.gather [hbm4b:s8+s4], $0x80, $0x38;
	[tilespmem:$0x1F100] =	vst v63  }
0x2d: {  	_ =	swait.ge [sflag:s29], $0x4000  }
0x2e: {  	[sflag:s29] =	ssyncset.done $0x0  }
0x2f: {  	[sflag:s29] =	ssyncadd.s32 $0xFFFFC000  }
0x30: {  	_ =	swait.ge [sflag:s30], $0x80  }
0x31: {  	[sflag:s30] =	ssyncset.done $0x0  }
0x32: {  	[sflag:s30] =	ssyncadd.s32 $0xFFFFFF80  }
0x33: {  	[spmem:s3] =	stream.indirect.scatter.add.f32 [tilespmem:s20], [sflag:$0x6], $0x80, s21, s19, $0xb8;
	[tilespmem:$0x1F100] =	vst v63  }
0x34: {  	_ =	swait.ge [sflag:s16], $0x4000  }
0x35: {  	[sflag:s16] =	ssyncset.done $0x0  }
0x36: {  	s11 =	simm.s32 $0x14100;
	s14 =	sshrl.u32 s9, $0x3;
	[sflag:s16] =	ssyncadd.s32 $0xFFFFC000  }
0x37: {  	[tilespmem:s20], [sflag:$0x1] =	stream.indirect.gather [hbm4b:s5+s19], $0x80, s11, s19, $0xb8;
	[tilespmem:$0x1F100] =	vst v63  }
0x38: {  	s14 =	sadd.s32 s2, s14  }
0x39: {  	[tilespmem:s21], [sflag:$0x3] =	stream.linear.gather [hbm4b:s14+s4], $0x80, $0x38;
	[tilespmem:$0x1F100] =	vst v63  }
0x3a: {  	_ =	swait.ge [sflag:s31], $0x4000  }
0x3b: {  	[sflag:s31] =	ssyncset.done $0x0  }
0x3c: {  	[sflag:s31] =	ssyncadd.s32 $0xFFFFC000  }
0x3d: {  	_ =	swait.ge [sflag:s1], $0x80  }
0x3e: {  	[sflag:s1] =	ssyncset.done $0x0  }
0x3f: {  	[sflag:s1] =	ssyncadd.s32 $0xFFFFFF80  }
0x40: {  	[spmem:s3] =	stream.indirect.scatter.add.f32 [tilespmem:s26], [sflag:$0x6], $0x80, s28, s19, $0xb8;
	[tilespmem:$0x1F100] =	vst v63  }
0x41: {  	_ =	swait.ge [sflag:s16], $0x4000  }
0x42: {  	s8 =	simm.s32 $0x20;
	s14 =	smov.u32 s9;
	[sflag:s16] =	ssyncset.done $0x0  }
.LBB2_2:
0x43: {  	[sflag:s16] =	ssyncadd.s32 $0xFFFFC000;
	s6 =	sadd.s32 $0x100, s6;
	s14 =	sadd.s32 $0x100, s14  }
0x44: {  	[tilespmem:s26], [sflag:$0x2] =	stream.indirect.gather [hbm4b:s5+s19], $0x80, s6, s19, $0xb8;
	[tilespmem:$0x1F100] =	vst v63  }
0x45: {  	s10 =	sadd.s32 s8, s13;
	p0 =	sne.s32 s8, $0x4A0;
	s8 =	sadd.s32 $0x20, s8  }
0x46: {  	[tilespmem:s28], [sflag:$0x4] =	stream.linear.gather [hbm4b:s10+s4], $0x80, $0x38;
	[tilespmem:$0x1F100] =	vst v63  }
0x47: {  	_ =	swait.ge [sflag:s29], $0x4000  }
0x48: {  	[sflag:s29] =	ssyncset.done $0x0  }
0x49: {  	[sflag:s29] =	ssyncadd.s32 $0xFFFFC000  }
0x4a: {  	_ =	swait.ge [sflag:s30], $0x80  }
0x4b: {  	[sflag:s30] =	ssyncset.done $0x0  }
0x4c: {  	[sflag:s30] =	ssyncadd.s32 $0xFFFFFF80  }
0x4d: {  	[spmem:s3] =	stream.indirect.scatter.add.f32 [tilespmem:s20], [sflag:$0x6], $0x80, s21, s19, $0xb8;
	[tilespmem:$0x1F100] =	vst v63  }
0x4e: {  	_ =	swait.ge [sflag:s16], $0x4000  }
0x4f: {  	[sflag:s16] =	ssyncset.done $0x0  }
0x50: {  	s11 =	sshrl.u32 s14, $0x3;
	s10 =	sadd.s32 $0x80, s6;
	[sflag:s16] =	ssyncadd.s32 $0xFFFFC000  }
0x51: {  	[tilespmem:s20], [sflag:$0x1] =	stream.indirect.gather [hbm4b:s5+s19], $0x80, s10, s19, $0xb8;
	[tilespmem:$0x1F100] =	vst v63  }
0x52: {  	s10 =	sadd.s32 s2, s11  }
0x53: {  	[tilespmem:s21], [sflag:$0x3] =	stream.linear.gather [hbm4b:s10+s4], $0x80, $0x38;
	[tilespmem:$0x1F100] =	vst v63  }
0x54: {  	_ =	swait.ge [sflag:s31], $0x4000  }
0x55: {  	[sflag:s31] =	ssyncset.done $0x0  }
0x56: {  	[sflag:s31] =	ssyncadd.s32 $0xFFFFC000  }
0x57: {  	_ =	swait.ge [sflag:s1], $0x80  }
.Ltmp0:
0x58: {  	[sflag:s1] =	ssyncset.done $0x0;
	(pc) =	sbr.rel @p0 .LBB2_2-.Ltmp0, $4  }
0x59: {  	[sflag:s1] =	ssyncadd.s32 $0xFFFFFF80  }
0x5a: {  	[spmem:s3] =	stream.indirect.scatter.add.f32 [tilespmem:s26], [sflag:$0x6], $0x80, s28, s19, $0xb8;
	[tilespmem:$0x1F100] =	vst v63  }
0x5b: {  	_ =	swait.ge [sflag:s16], $0x4000  }
0x5c: {  	[sflag:s16] =	ssyncset.done $0x0  }
0x5d: {  	[sflag:s16] =	ssyncadd.s32 $0xFFFFC000;
	s6 =	simm.s32 $0x16680  }
0x5e: {  	[tilespmem:s26], [sflag:$0x2] =	stream.indirect.gather [hbm4b:s5+s19], $0x80, s6, s19, $0xb8;
	[tilespmem:$0x1F100] =	vst v63  }
0x5f: {  	_ = 	snop  }
0x60: {  	[tilespmem:s28], [sflag:$0x4] =	stream.linear.gather [hbm4b:s12+s4], $0x80, $0x38;
	[tilespmem:$0x1F100] =	vst v63  }
0x61: {  	_ =	swait.ge [sflag:s29], $0x4000  }
0x62: {  	[sflag:s29] =	ssyncset.done $0x0  }
0x63: {  	[sflag:s29] =	ssyncadd.s32 $0xFFFFC000  }
0x64: {  	_ =	swait.ge [sflag:s30], $0x80  }
0x65: {  	[sflag:s30] =	ssyncset.done $0x0  }
0x66: {  	[sflag:s30] =	ssyncadd.s32 $0xFFFFFF80  }
0x67: {  	[spmem:s3] =	stream.indirect.scatter.add.f32 [tilespmem:s20], [sflag:$0x6], $0x80, s21, s19, $0xb8;
	[tilespmem:$0x1F100] =	vst v63  }
0x68: {  	_ =	swait.ge [sflag:s16], $0x4000  }
0x69: {  	[sflag:s16] =	ssyncset.done $0x0  }
0x6a: {  	[sflag:s16] =	ssyncadd.s32 $0xFFFFC000  }
0x6b: {  	_ =	swait.ge [sflag:s31], $0x4000  }
0x6c: {  	[sflag:s31] =	ssyncset.done $0x0  }
0x6d: {  	[sflag:s31] =	ssyncadd.s32 $0xFFFFC000  }
0x6e: {  	_ =	swait.ge [sflag:s1], $0x80  }
0x6f: {  	[sflag:s1] =	ssyncset.done $0x0  }
0x70: {  	[sflag:s1] =	ssyncadd.s32 $0xFFFFFF80  }
0x71: {  	[spmem:s3] =	stream.indirect.scatter.add.f32 [tilespmem:s26], [sflag:$0x6], $0x80, s28, s19, $0xb8;
	[tilespmem:$0x1F100] =	vst v63  }
0x72: {  	_ =	swait.ge [sflag:s16], $0x4000  }
0x73: {  	[sflag:s16] =	ssyncset.done $0x0  }
0x74: {  	[sflag:s16] =	ssyncadd.s32 $0xFFFFC000  }
0x75: {  	_ =	swait.ge [sflag:s23], $0x800  }
0x76: {  	[sflag:s23] =	ssyncset.done $0x0  }
0x77: {  	[sflag:s23] =	ssyncadd.s32 $0xFFFFF800  }
0x78: {  	_ =	swait.ge [sflag:s23], $0x10  }
0x79: {  	[sflag:s23] =	ssyncset.done $0x0  }
0x7a: {  	[sflag:s23] =	ssyncadd.s32 $0xFFFFFFF0  }
0x7b: {  	[spmem:s3] =	stream.indirect.scatter.add.f32 [tilespmem:s24], [sflag:$0x6], $0x80, s25, s22, $0xb8;
	[tilespmem:$0x1F100] =	vst v63  }
0x7c: {  	_ =	swait.ge [sflag:s16], $0x800  }
0x7d: {  	[sflag:s16] =	ssyncset.done $0x0  }
0x7e: {  	[sflag:s16] =	ssyncadd.s32 $0xFFFFF800  }
0x7f: {  	[bflag:$0x0] =	sbarrier.arrive $0xFFFF  }
0x80: {  	s11 =	rddreg [dreg:$0x7]  }
0x81: {  	[hbm:s11], [sflag:s17] =	dma.local [spmem:s18], $0x2800  }
0x82: {  	_ =	swait.ge [sflag:s16], $0x2800  }
0x83: {  	s0 =	sadd.s32 $0x1, s0;
	s14 =	rddreg [dreg:$0x8]  }
0x84: {  	p0 =	sne.s32 s0, s14  }
.Ltmp1:
0x85: {  	_ = 	snop;
	(pc) =	sbr.rel @p0 .LBB2_1-.Ltmp1, $3  }
0x86: {  	_ =	sdelay $0x1  }
0x87: {  	[sflag:s16] =	ssyncset.done $0x0  }
0x88: {  	[sflag:s16] =	ssyncadd.s32 $0xFFFFD800  }
0x89: {  	_ =	sfence.sel $0x180000  }
0x8a: {  	[bflag:$0x0] =	sbarrier.arrive $0xFFFF  }
0x8b: {  	_ =	strace $0x9000004A  }
0x8c: {  	s0 =	stileid.u32;
	[bflag:$0x2] =	sbarrier.arrive $0xFFFF  }
0x8d: {  	p0 =	sne.s32 s0, $0x0;
	s0 =	rddreg [dreg:$0x3]  }
0x8e: {  	s0 =	sadd.s32 @!p0 $0x100000, s0  }
0x8f: {  	[sflag:s0] =	ssyncadd.tile.s32 @!p0 $0x1;
	_ =	shalt  }
.Lfunc_end2:
_tile_overlayer_lowered:
.L_overlay_start_2:
0x90: {  	(tag) =	ssettag $0x2  }
0x91: {  	s0 =	rddreg [dreg:$0x0];
	s2 =	stileid.u32  }
0x92: {  	s1 =	rddreg [dreg:$0x1];
	p0 =	sne.s32 s2, $0x0  }
0x93: {  	s3 =	rddreg [dreg:$0x2];
	[bflag:$0x3] =	sbarrier.arrive $0xFFFF;
	s2 =	simm.s32 @!p0 $0x1C06  }
0x94: {  	[timem:s3], [sflag:s2] =	dma.local @!p0 [hbm:s0], s1  }
0x95: {  	s0 =	simm.s32 @!p0 $0x6  }
0x96: {  	_ =	swait.ge @!p0 [sflag:s0], s1  }
0x97: {  	s1 =	ssub.s32 @!p0 $0x0, s1;
	[sflag:s0] =	ssyncset.done @!p0 $0x0  }
0x98: {  	[sflag:s0] =	ssyncadd.s32 @!p0 s1  }
0x99: {  	[bflag:$0x3] =	sbarrier.arrive $0xFFFF  }
0x9a: {  	_ =	shalt  }

// kernel: kernel.18.cloned.1.call-start
scs
__scs_entry_jumppad:
0x0: {  	(pc) =	sbr.rel $0x88, $3  }
0x1: {  	(tag) =	ssettag $0x0;
	lr =	simm.s32 $0x1  }
0x2: {  	[smem:$0x3F99] =	sst lr;
	_ =	strace $0xD0000000  }
0x3: {  	_ = 	snop  }
0x4: {  	_ = 	snop  }
0x5: {  	_ = 	snop  }
0x6: {  	_ = 	snop  }
0x7: {  	_ = 	snop  }
__scs_overlays_trampoline_lowered:
0x8: {  	[smem:$0x3FA8] =	sst s0  }
0x9: {  	[smem:$0x3FA9] =	sst s1  }
0xa: {  	[smem:$0x3FAA] =	sst s2  }
0xb: {  	[smem:$0x3FAB] =	sst s3  }
0xc: {  	[smem:$0x3FAC] =	sst s4  }
0xd: {  	[smem:$0x3FAD] =	sst s5  }
0xe: {  	[smem:$0x3FAE] =	sst s6  }
0xf: {  	[smem:$0x3FAF] =	sst s7  }
0x10: {  	[smem:$0x3FB0] =	sst s8  }
0x11: {  	[smem:$0x3FB1] =	sst s9;
	s0 =	simm.s32 @!p0 $0x0  }
0x12: {  	s1 =	sld [smem:$0x3F97];
	s0 =	simm.s32 @p0 $0x1  }
0x13: {  	[smem:$0x3FB2] =	sst s0;
	s0 =	simm.s32 @!p1 $0x0  }
0x14: {  	s2 =	sld [smem:$0x3F96];
	s0 =	simm.s32 @p1 $0x1  }
0x15: {  	[smem:$0x3FB3] =	sst s0;
	s0 =	simm.s32 @!p2 $0x0  }
0x16: {  	s3 =	sld [smem:$0x3FDB];
	s0 =	simm.s32 @p2 $0x1  }
0x17: {  	s4 =	simm.s32 $0x1BF5;
	[smem:$0x3FB5] =	sst s0  }
0x18: {  	s0 =	sld [smem:$0x3F98];
	_ =	swait.ge [sflag:s4], $0x0  }
0x19: {  	s7 =	sld [smem:$0x3F99]  }
0x1a: {  	s8 =	sadd.s32 $0xFFFFE003, lr  }
0x1b: {  	s9 =	sadd.s32 $0xFFFFFEF7, lr;
	s5 =	simm.s32 $0xFFFFFFFF;
	p2 =	slt.u32 s8, $0xFFFFF086  }
0x1c: {  	p1 =	slt.u32 s9, $0xF7A;
	s5 =	simm.s32 @!p2 $0x0  }
0x1d: {  	s5 =	simm.s32 @p1 $0x1;
	p0 =	seq.s32 s7, s2  }
0x1e: {  	s7 =	smul.u32 @!p0 $0xF7A, s2;
	p2 =	seq.s32 @!p0 s5, $0x0  }
0x1f: {  	s9 =	smul.u32 $0xF7A, s1;
	s8 =	simm.s32 @!p0 $0x1BF5;
	p2 =	por !p2, p0  }
0x20: {  	[sflag:s8] =	ssyncset.s32 @!p0 $0xFFFFF086;
	s6 =	sadd.s32 @!p0 s3, s7;
	s7 =	simm.s32 @!p0 $0x108  }
0x21: {  	s3 =	sadd.s32 s3, s9;
	s6 =	sadd.s32 @!p0 $0x88, s6;
	s7 =	simm.s32 @p2 $0x1082  }
0x22: {  	[simem:s7], [sflag:s8] =	dma.local @!p0 [hbm:s6], $0xF7A  }
0x23: {  	s9 =	sor.u32 $0xD0000000, s2;
	s6 =	simm.s32 $0x108;
	_ =	swait.ge @!p0 [sflag:s8], $0x0  }
0x24: {  	s3 =	sadd.s32 $0x88, s3;
	s6 =	simm.s32 @!p1 $0x1082;
	[sflag:s4] =	ssyncset.s32 $0xFFFFF086  }
0x25: {  	[simem:s6], [sflag:s4] =	dma.local [hbm:s3], $0xF7A  }
0x26: {  	[smem:$0x3F99] =	sst s1;
	(tag) =	ssettag s2;
	_ =	strace s9  }
0x27: {  	s1 =	sld [smem:$0x3FA9]  }
0x28: {  	s2 =	sld [smem:$0x3FAA]  }
0x29: {  	s4 =	sld [smem:$0x3FAC]  }
0x2a: {  	p0 =	seq.s32 s5, $0x0;
	s5 =	sld [smem:$0x3FAD]  }
0x2b: {  	s6 =	sld [smem:$0x3FAE]  }
0x2c: {  	s7 =	sld [smem:$0x3FAF]  }
0x2d: {  	s3 =	simm.s32 $0x108;
	s8 =	sld [smem:$0x3FB0]  }
0x2e: {  	s3 =	simm.s32 @!p0 $0x1082;
	s9 =	sld [smem:$0x3FB1]  }
0x2f: {  	lr =	sadd.s32 s0, s3;
	s0 =	sld [smem:$0x3FA8]  }
0x30: {  	s3 =	sld [smem:$0x3FAB]  }
0x31: {  	[smem:$0x3FB4] =	sst s10  }
0x32: {  	s10 =	sld [smem:$0x3FB2];
	_ =	sdelay $0x3  }
0x33: {  	p0 =	seq.s32 s10, $0x1;
	s10 =	sld [smem:$0x3FB4];
	_ =	sdelay $0x3  }
0x34: {  	[smem:$0x3FB4] =	sst s10  }
0x35: {  	s10 =	sld [smem:$0x3FB3];
	_ =	sdelay $0x3  }
0x36: {  	p1 =	seq.s32 s10, $0x1;
	s10 =	sld [smem:$0x3FB4];
	_ =	sdelay $0x3  }
0x37: {  	[smem:$0x3FB4] =	sst s10  }
0x38: {  	s10 =	sld [smem:$0x3FB5]  }
0x39: {  	_ = 	snop;
	(pc) =	sbr.ind lr, $3  }
0x3a: {  	_ = 	snop  }
0x3b: {  	_ = 	snop  }
0x3c: {  	p2 =	seq.s32 s10, $0x1;
	s10 =	sld [smem:$0x3FB4]  }
0x3d: {  	_ =	shalt  }
0x3e: {  	_ =	shalt  }
0x3f: {  	_ =	shalt  }
0x40: {  	_ =	shalt  }
0x41: {  	_ =	shalt  }
0x42: {  	_ =	shalt  }
0x43: {  	_ =	shalt  }
0x44: {  	_ =	shalt  }
0x45: {  	_ =	shalt  }
0x46: {  	_ =	shalt  }
0x47: {  	_ =	shalt  }
0x48: {  	_ =	shalt  }
0x49: {  	_ =	shalt  }
0x4a: {  	_ =	shalt  }
0x4b: {  	_ =	shalt  }
0x4c: {  	_ =	shalt  }
0x4d: {  	_ =	shalt  }
0x4e: {  	_ =	shalt  }
0x4f: {  	_ =	shalt  }
0x50: {  	_ =	shalt  }
0x51: {  	_ =	shalt  }
0x52: {  	_ =	shalt  }
0x53: {  	_ =	shalt  }
0x54: {  	_ =	shalt  }
0x55: {  	_ =	shalt  }
0x56: {  	_ =	shalt  }
0x57: {  	_ =	shalt  }
0x58: {  	_ =	shalt  }
0x59: {  	_ =	shalt  }
0x5a: {  	_ =	shalt  }
0x5b: {  	_ =	shalt  }
0x5c: {  	_ =	shalt  }
0x5d: {  	_ =	shalt  }
0x5e: {  	_ =	shalt  }
0x5f: {  	_ =	shalt  }
0x60: {  	_ =	shalt  }
0x61: {  	_ =	shalt  }
0x62: {  	_ =	shalt  }
0x63: {  	_ =	shalt  }
0x64: {  	_ =	shalt  }
0x65: {  	_ =	shalt  }
0x66: {  	_ =	shalt  }
0x67: {  	_ =	shalt  }
0x68: {  	_ =	shalt  }
0x69: {  	_ =	shalt  }
0x6a: {  	_ =	shalt  }
0x6b: {  	_ =	shalt  }
0x6c: {  	_ =	shalt  }
0x6d: {  	_ =	shalt  }
0x6e: {  	_ =	shalt  }
0x6f: {  	_ =	shalt  }
0x70: {  	_ =	shalt  }
0x71: {  	_ =	shalt  }
0x72: {  	_ =	shalt  }
0x73: {  	_ =	shalt  }
0x74: {  	_ =	shalt  }
0x75: {  	_ =	shalt  }
0x76: {  	_ =	shalt  }
0x77: {  	_ =	shalt  }
0x78: {  	_ =	shalt  }
0x79: {  	_ =	shalt  }
0x7a: {  	_ =	shalt  }
0x7b: {  	_ =	shalt  }
0x7c: {  	_ =	shalt  }
0x7d: {  	_ =	shalt  }
0x7e: {  	_ =	shalt  }
0x7f: {  	_ =	shalt  }
0x80: {  	_ =	shalt  }
0x81: {  	_ =	shalt  }
0x82: {  	_ =	shalt  }
0x83: {  	_ =	shalt  }
0x84: {  	_ =	shalt  }
0x85: {  	_ =	shalt  }
0x86: {  	_ =	shalt  }
0x87: {  	_ =	shalt  }
.Lfunc_end0:
.L_simem_size_0:
called_computation.2_lowered:
.L_overlay_start_0:
0x88: {  	s2 =	sld [smem:$0x3FD9]  }
0x89: {  	s3 =	sld [smem:$0x3FFE];
	_ =	sdelay $0x1  }
0x8a: {  	s1 =	srdreg.scid  }
0x8b: {  	s0 =	sand.u32 $0x1, s1  }
0x8c: {  	s17 =	sshll.u32 s0, $0xA;
	s2 =	sadd.s32 s3, s2  }
0x8d: {  	s2 =	sadd.s32 s2, s17  }
0x8e: {  	[smem:$0x3FC0] =	sst s2  }
0x8f: {  	_ = 	snop  }
0x90: {  	s2 =	sld [smem:$0x3FD0];
	(tm) =	ssettm $0x1  }
0x91: {  	s18 =	sld [smem:$0x3FFB];
	_ =	sdelay $0x3  }
0x92: {  	_ =	strace s18  }
0x93: {  	s3 =	sld [smem:$0x3FFC];
	_ =	sdelay $0x3  }
0x94: {  	_ =	strace s3  }
0x95: {  	s3 =	sld [smem:$0x3FFD];
	_ =	sdelay $0x3  }
0x96: {  	_ =	strace s3  }
0x97: {  	_ =	strace $0x8FFFFFFF  }
0x98: {  	s19 =	sld [smem:$0x3FDB];
	_ =	sdelay $0x1  }
0x99: {  	s4 =	simm.s32 $_scs_section_size  }
0x9a: {  	s5 =	simm.s32 $_size__tile_overlayer_lowered;
	s6 =	simm.s32 $_tile_overlayer_lowered  }
0x9b: {  	s22 =	simm.s32 $0x1BFF;
	s21 =	sshll.u32 s6, $0x1;
	s3 =	sadd.s32 s4, s19  }
0x9c: {  	s7 =	simm.s32 $0x0;
	s20 =	sshll.u32 s5, $0x1;
	s5 =	sadd.s32 s21, s3  }
0x9d: {  	[timem:s7], [sflag:s22] =	dma.local [hbm:s5], s20  }
0x9e: {  	_ =	swait.ge [sflag:s22], s20  }
0x9f: {  	s4 =	ssub.s32 $0x0, s20;
	[sflag:s22] =	ssyncset.done $0x0  }
0xa0: {  	[sflag:s22] =	ssyncadd.s32 s4;
	_ =	sdelay $0x1  }
0xa1: {  	s23 =	simm.s32 $0x1B8B  }
0xa2: {  	_ =	swait.ge [sflag:s23], $0x1  }
0xa3: {  	[sflag:s23] =	ssyncset.done $0x0  }
0xa4: {  	s25 =	simm.s32 $0x1B8E;
	s24 =	sld [smem:$0x3FFE];
	[sflag:s23] =	ssyncadd.s32 $0xFFFFFFFF  }
0xa5: {  	s26 =	simm.s32 $execute0_lowered;
	[smem:$0x3FD2] =	sst s25  }
0xa6: {  	s5 =	sshll.u32 s26, $0x1;
	_ =	strace $0x8000004C;
	[dreg:$0x1] =	wrdreg $0xFFFFFFFF  }
0xa7: {  	s28 =	simm.s32 $_size_execute0_lowered;
	s3 =	sadd.s32 s3, s5;
	[dreg:$0x0] =	wrdreg $0x0  }
0xa8: {  	s5 =	sshll.u32 s28, $0x1;
	[dreg:$0x2] =	wrdreg s3  }
0xa9: {  	[dreg:$0x3] =	wrdreg s5  }
0xaa: {  	[dreg:$0x4] =	wrdreg $0xC0  }
0xab: {  	_ =	task [dreg:s7], $0x5FFFF  }
0xac: {  	[dreg:$0x1] =	wrdreg $0xFFFFFFFF  }
0xad: {  	[dreg:$0x0] =	wrdreg $0x60  }
0xae: {  	[dreg:$0x2] =	wrdreg s24  }
0xaf: {  	[dreg:$0x3] =	wrdreg s2  }
0xb0: {  	[dreg:$0x4] =	wrdreg $0x0  }
0xb1: {  	[dreg:$0x5] =	wrdreg $0x9  }
0xb2: {  	_ =	task.clear_ibuf [dreg:s7], $0x6FFFF;
	_ =	strace $0x9000004C  }
0xb3: {  	s29 =	simm.s32 $0x9;
	_ =	strace $0x8000004E  }
0xb4: {  	_ =	swait.ge [sflag:s29], $0x1  }
0xb5: {  	[sflag:s29] =	ssyncadd.s32 $0xFFFFFFFF  }
0xb6: {  	_ =	strace $0x9000004E  }
0xb7: {  	_ =	sfence  }
0xb8: {  	s30 =	sld [smem:$0x0];
	_ =	sdelay $0x2  }
0xb9: {  	s31 =	sshll.u32 s1, $0xD;
	s1 =	sshrl.u32 s1, $0x2  }
0xba: {  	s3 =	sand.u32 $0x4000, s31;
	s1 =	sadd.s32 s1, s30  }
0xbb: {  	s0 =	sor.u32 s3, s0;
	s1 =	sshll.u32 s1, $0x11  }
0xbc: {  	s0 =	sor.u32 s1, s0  }
0xbd: {  	s0 =	sadd.s32 $0x8F2B, s0  }
0xbe: {  	[sflag:s0] =	ssyncadd.remote.s32 $0x1  }
0xbf: {  	_ =	sfence.sel $0xFFFF  }
0xc0: {  	[dreg:$0x0] =	wrdreg $0xFFFFFFFF;
	(pc) =	sbr.abs _section_cstart, $3  }
0xc1: {  	[dreg:$0x1] =	wrdreg $0xFFFFFFFF  }
0xc2: {  	_ =	task.clear_ibuf [dreg:s7], $0x2FFFF;
	_ =	strace $0x9FFFFFFF  }
0xc3: {  	(tm) =	ssettm $0x7FFFFFFF  }
tec
execute0_lowered:
.L_overlay_start_1:
0x0: {  	(tag) =	ssettag $0x1  }
0x1: {  	s1 =	rddreg [dreg:$0x0]  }
0x2: {  	s0 =	srdreg.scid;
	s2 =	rddreg [dreg:$0x1]  }
0x3: {  	s14 =	stileid.u32;
	s3 =	rddreg [dreg:$0x2];
	s15 =	simm.s32 $0x14000  }
0x4: {  	s16 =	simm.s32 $0x6;
	s28 =	simm.s32 $0x16800;
	s6 =	smul.u32 $0x14000, s14  }
0x5: {  	s29 =	simm.s32 $0x1;
	s30 =	simm.s32 $0x3;
	s19 =	smul.u32 $0x50000, s14  }
0x6: {  	s31 =	simm.s32 $0x2;
	s0 =	sand.u32 $0x1, s0;
	s12 =	smul.u32 $0x2710, s14  }
0x7: {  	s26 =	sshll.u32 s14, $0x6;
	s4 =	sshll.u32 s0, $0x4;
	s8 =	smul.u32 $0x140000, s0  }
0x8: {  	s11 =	ssub.s32 $0x2, s0;
	s0 =	smul.u32 $0x27100, s0;
	s17 =	sor.u32 $0x1C06, s26  }
0x9: {  	s26 =	simm.s32 $0x1A900;
	s5 =	sor.u32 s14, s4;
	s4 =	simm.s32 $0x0  }
0xa: {  	s10 =	sshrl.u32 s6, $0x3;
	s20 =	sshrl.u32 s11, $0x1;
	s5 =	smul.u32 $0x2710, s5  }
0xb: {  	[smem:$0x7FF] =	sst s4;
	s10 =	sadd.s32 s10, s1;
	s6 =	sadd.s32 s6, s8  }
0xc: {  	s8 =	sshrl.u32 s19, $0x2;
	s0 =	sadd.s32 s12, s0;
	s19 =	simm.s32 $0x80  }
0xd: {  	_ =	strace $0x8000004D;
	s6 =	sshrl.u32 s6, $0x3;
	s8 =	sadd.s32 s8, s3  }
0xe: {  	s21 =	sadd.s32 $0xE200, s10;
	s23 =	sadd.s32 $0x80, s0;
	s7 =	sshrl.u32 s5, $0x3  }
0xf: {  	s5 =	sadd.s32 $0x36200, s1;
	[dreg:$0x5] =	wrdreg s21;
	s25 =	sshrl.u32 s23, $0x3  }
0x10: {  	s18 =	sshrl.u32 s8, $0x3;
	s21 =	simm.s32 $0x16780;
	s23 =	simm.s32 $0x5  }
0x11: {  	s9 =	sadd.s32 s7, s1;
	s1 =	sadd.s32 s6, s1;
	s6 =	ssub.s32 s11, s20  }
0x12: {  	s7 =	sadd.s32 s2, s7;
	s13 =	sadd.s32 s25, s2;
	s9 =	sadd.s32 $0x3C00, s9  }
0x13: {  	s20 =	simm.s32 $0x16900;
	s22 =	sadd.s32 $0x4E0, s7;
	[dreg:$0x4] =	wrdreg s9  }
0x14: {  	s25 =	simm.s32 $0x16880;
	s1 =	sadd.s32 $0x5E200, s1;
	[dreg:$0x6] =	wrdreg s22  }
0x15: {  	s24 =	smax.u32 s6, $0x1;
	s12 =	sadd.s32 $0x4D0, s7;
	[dreg:$0x7] =	wrdreg s1  }
0x16: {  	[dreg:$0x8] =	wrdreg s24;
	s9 =	sadd.s32 $0x100, s0;
	s22 =	simm.s32 $0x10  }
0x17: {  	s24 =	simm.s32 $0x1E900;
	s1 =	simm.s32 $0x4;
	s0 =	simm.s32 $0x0  }
.LBB2_1:
0x18: {  	s6 =	rddreg [dreg:$0x4]  }
0x19: {  	[tilespmem:s15], [sflag:$0x6] =	stream.linear.gather [hbm4b:s6+s4], $0x2710, $0x38;
	[tilespmem:$0x1F100] =	vst v63  }
0x1a: {  	_ =	swait.ge [sflag:s16], $0x2710  }
0x1b: {  	[sflag:s16] =	ssyncset.done $0x0  }
0x1c: {  	s14 =	rddreg [dreg:$0x5];
	[sflag:s16] =	ssyncadd.s32 $0xFFFFD8F0  }
0x1d: {  	[spmem:s18], [sflag:s17] =	dma.local [hbm:s14], $0x2800  }
0x1e: {  	_ =	swait.ge [sflag:s16], $0x2800  }
0x1f: {  	[sflag:s16] =	ssyncset.done $0x0  }
0x20: {  	[sflag:s16] =	ssyncadd.s32 $0xFFFFD800  }
0x21: {  	[bflag:$0x0] =	sbarrier.arrive $0xFFFF  }
0x22: {  	[tilespmem:s20], [sflag:$0x1] =	stream.indirect.gather [hbm4b:s5+s19], $0x80, s15, s19, $0xb8;
	[tilespmem:$0x1F100] =	vst v63  }
0x23: {  	_ = 	snop  }
0x24: {  	[tilespmem:s21], [sflag:$0x3] =	stream.linear.gather [hbm4b:s7+s4], $0x80, $0x38;
	[tilespmem:$0x1F100] =	vst v63  }
0x25: {  	s8 =	simm.s32 $0x16700  }
0x26: {  	[tilespmem:s24], [sflag:$0x5] =	stream.indirect.gather [hbm4b:s5+s22], $0x80, s8, s22, $0xb8;
	[tilespmem:$0x1F100] =	vst v63  }
0x27: {  	s10 =	rddreg [dreg:$0x6]  }
0x28: {  	[tilespmem:s25], [sflag:$0x5] =	stream.linear.gather [hbm4b:s10+s4], $0x10, $0x38;
	[tilespmem:$0x1F100] =	vst v63  }
0x29: {  	s6 =	simm.s32 $0x14080  }
0x2a: {  	[tilespmem:s26], [sflag:$0x2] =	stream.indirect.gather [hbm4b:s5+s19], $0x80, s6, s19, $0xb8;
	[tilespmem:$0x1F100] =	vst v63  }
0x2b: {  	s8 =	sadd.s32 $0x0, s13  }
0x2c: {  	[tilespmem:s28], [sflag:$0x4] =	stream.linear.gather [hbm4b:s8+s4], $0x80, $0x38;
	[tilespmem:$0x1F100] =	vst v63  }
0x2d: {  	_ =	swait.ge [sflag:s29], $0x4000  }
0x2e: {  	[sflag:s29] =	ssyncset.done $0x0  }
0x2f: {  	[sflag:s29] =	ssyncadd.s32 $0xFFFFC000  }
0x30: {  	_ =	swait.ge [sflag:s30], $0x80  }
0x31: {  	[sflag:s30] =	ssyncset.done $0x0  }
0x32: {  	[sflag:s30] =	ssyncadd.s32 $0xFFFFFF80  }
0x33: {  	[spmem:s3] =	stream.indirect.scatter.add.f32 [tilespmem:s20], [sflag:$0x6], $0x80, s21, s19, $0xb8;
	[tilespmem:$0x1F100] =	vst v63  }
0x34: {  	_ =	swait.ge [sflag:s16], $0x4000  }
0x35: {  	[sflag:s16] =	ssyncset.done $0x0  }
0x36: {  	s11 =	simm.s32 $0x14100;
	s14 =	sshrl.u32 s9, $0x3;
	[sflag:s16] =	ssyncadd.s32 $0xFFFFC000  }
0x37: {  	[tilespmem:s20], [sflag:$0x1] =	stream.indirect.gather [hbm4b:s5+s19], $0x80, s11, s19, $0xb8;
	[tilespmem:$0x1F100] =	vst v63  }
0x38: {  	s14 =	sadd.s32 s2, s14  }
0x39: {  	[tilespmem:s21], [sflag:$0x3] =	stream.linear.gather [hbm4b:s14+s4], $0x80, $0x38;
	[tilespmem:$0x1F100] =	vst v63  }
0x3a: {  	_ =	swait.ge [sflag:s31], $0x4000  }
0x3b: {  	[sflag:s31] =	ssyncset.done $0x0  }
0x3c: {  	[sflag:s31] =	ssyncadd.s32 $0xFFFFC000  }
0x3d: {  	_ =	swait.ge [sflag:s1], $0x80  }
0x3e: {  	[sflag:s1] =	ssyncset.done $0x0  }
0x3f: {  	[sflag:s1] =	ssyncadd.s32 $0xFFFFFF80  }
0x40: {  	[spmem:s3] =	stream.indirect.scatter.add.f32 [tilespmem:s26], [sflag:$0x6], $0x80, s28, s19, $0xb8;
	[tilespmem:$0x1F100] =	vst v63  }
0x41: {  	_ =	swait.ge [sflag:s16], $0x4000  }
0x42: {  	s8 =	simm.s32 $0x20;
	s14 =	smov.u32 s9;
	[sflag:s16] =	ssyncset.done $0x0  }
.LBB2_2:
0x43: {  	[sflag:s16] =	ssyncadd.s32 $0xFFFFC000;
	s6 =	sadd.s32 $0x100, s6;
	s14 =	sadd.s32 $0x100, s14  }
0x44: {  	[tilespmem:s26], [sflag:$0x2] =	stream.indirect.gather [hbm4b:s5+s19], $0x80, s6, s19, $0xb8;
	[tilespmem:$0x1F100] =	vst v63  }
0x45: {  	s10 =	sadd.s32 s8, s13;
	p0 =	sne.s32 s8, $0x4A0;
	s8 =	sadd.s32 $0x20, s8  }
0x46: {  	[tilespmem:s28], [sflag:$0x4] =	stream.linear.gather [hbm4b:s10+s4], $0x80, $0x38;
	[tilespmem:$0x1F100] =	vst v63  }
0x47: {  	_ =	swait.ge [sflag:s29], $0x4000  }
0x48: {  	[sflag:s29] =	ssyncset.done $0x0  }
0x49: {  	[sflag:s29] =	ssyncadd.s32 $0xFFFFC000  }
0x4a: {  	_ =	swait.ge [sflag:s30], $0x80  }
0x4b: {  	[sflag:s30] =	ssyncset.done $0x0  }
0x4c: {  	[sflag:s30] =	ssyncadd.s32 $0xFFFFFF80  }
0x4d: {  	[spmem:s3] =	stream.indirect.scatter.add.f32 [tilespmem:s20], [sflag:$0x6], $0x80, s21, s19, $0xb8;
	[tilespmem:$0x1F100] =	vst v63  }
0x4e: {  	_ =	swait.ge [sflag:s16], $0x4000  }
0x4f: {  	[sflag:s16] =	ssyncset.done $0x0  }
0x50: {  	s11 =	sshrl.u32 s14, $0x3;
	s10 =	sadd.s32 $0x80, s6;
	[sflag:s16] =	ssyncadd.s32 $0xFFFFC000  }
0x51: {  	[tilespmem:s20], [sflag:$0x1] =	stream.indirect.gather [hbm4b:s5+s19], $0x80, s10, s19, $0xb8;
	[tilespmem:$0x1F100] =	vst v63  }
0x52: {  	s10 =	sadd.s32 s2, s11  }
0x53: {  	[tilespmem:s21], [sflag:$0x3] =	stream.linear.gather [hbm4b:s10+s4], $0x80, $0x38;
	[tilespmem:$0x1F100] =	vst v63  }
0x54: {  	_ =	swait.ge [sflag:s31], $0x4000  }
0x55: {  	[sflag:s31] =	ssyncset.done $0x0  }
0x56: {  	[sflag:s31] =	ssyncadd.s32 $0xFFFFC000  }
0x57: {  	_ =	swait.ge [sflag:s1], $0x80  }
.Ltmp0:
0x58: {  	[sflag:s1] =	ssyncset.done $0x0;
	(pc) =	sbr.rel @p0 .LBB2_2-.Ltmp0, $4  }
0x59: {  	[sflag:s1] =	ssyncadd.s32 $0xFFFFFF80  }
0x5a: {  	[spmem:s3] =	stream.indirect.scatter.add.f32 [tilespmem:s26], [sflag:$0x6], $0x80, s28, s19, $0xb8;
	[tilespmem:$0x1F100] =	vst v63  }
0x5b: {  	_ =	swait.ge [sflag:s16], $0x4000  }
0x5c: {  	[sflag:s16] =	ssyncset.done $0x0  }
0x5d: {  	[sflag:s16] =	ssyncadd.s32 $0xFFFFC000;
	s6 =	simm.s32 $0x16680  }
0x5e: {  	[tilespmem:s26], [sflag:$0x2] =	stream.indirect.gather [hbm4b:s5+s19], $0x80, s6, s19, $0xb8;
	[tilespmem:$0x1F100] =	vst v63  }
0x5f: {  	_ = 	snop  }
0x60: {  	[tilespmem:s28], [sflag:$0x4] =	stream.linear.gather [hbm4b:s12+s4], $0x80, $0x38;
	[tilespmem:$0x1F100] =	vst v63  }
0x61: {  	_ =	swait.ge [sflag:s29], $0x4000  }
0x62: {  	[sflag:s29] =	ssyncset.done $0x0  }
0x63: {  	[sflag:s29] =	ssyncadd.s32 $0xFFFFC000  }
0x64: {  	_ =	swait.ge [sflag:s30], $0x80  }
0x65: {  	[sflag:s30] =	ssyncset.done $0x0  }
0x66: {  	[sflag:s30] =	ssyncadd.s32 $0xFFFFFF80  }
0x67: {  	[spmem:s3] =	stream.indirect.scatter.add.f32 [tilespmem:s20], [sflag:$0x6], $0x80, s21, s19, $0xb8;
	[tilespmem:$0x1F100] =	vst v63  }
0x68: {  	_ =	swait.ge [sflag:s16], $0x4000  }
0x69: {  	[sflag:s16] =	ssyncset.done $0x0  }
0x6a: {  	[sflag:s16] =	ssyncadd.s32 $0xFFFFC000  }
0x6b: {  	_ =	swait.ge [sflag:s31], $0x4000  }
0x6c: {  	[sflag:s31] =	ssyncset.done $0x0  }
0x6d: {  	[sflag:s31] =	ssyncadd.s32 $0xFFFFC000  }
0x6e: {  	_ =	swait.ge [sflag:s1], $0x80  }
0x6f: {  	[sflag:s1] =	ssyncset.done $0x0  }
0x70: {  	[sflag:s1] =	ssyncadd.s32 $0xFFFFFF80  }
0x71: {  	[spmem:s3] =	stream.indirect.scatter.add.f32 [tilespmem:s26], [sflag:$0x6], $0x80, s28, s19, $0xb8;
	[tilespmem:$0x1F100] =	vst v63  }
0x72: {  	_ =	swait.ge [sflag:s16], $0x4000  }
0x73: {  	[sflag:s16] =	ssyncset.done $0x0  }
0x74: {  	[sflag:s16] =	ssyncadd.s32 $0xFFFFC000  }
0x75: {  	_ =	swait.ge [sflag:s23], $0x800  }
0x76: {  	[sflag:s23] =	ssyncset.done $0x0  }
0x77: {  	[sflag:s23] =	ssyncadd.s32 $0xFFFFF800  }
0x78: {  	_ =	swait.ge [sflag:s23], $0x10  }
0x79: {  	[sflag:s23] =	ssyncset.done $0x0  }
0x7a: {  	[sflag:s23] =	ssyncadd.s32 $0xFFFFFFF0  }
0x7b: {  	[spmem:s3] =	stream.indirect.scatter.add.f32 [tilespmem:s24], [sflag:$0x6], $0x80, s25, s22, $0xb8;
	[tilespmem:$0x1F100] =	vst v63  }
0x7c: {  	_ =	swait.ge [sflag:s16], $0x800  }
0x7d: {  	[sflag:s16] =	ssyncset.done $0x0  }
0x7e: {  	[sflag:s16] =	ssyncadd.s32 $0xFFFFF800  }
0x7f: {  	[bflag:$0x0] =	sbarrier.arrive $0xFFFF  }
0x80: {  	s11 =	rddreg [dreg:$0x7]  }
0x81: {  	[hbm:s11], [sflag:s17] =	dma.local [spmem:s18], $0x2800  }
0x82: {  	_ =	swait.ge [sflag:s16], $0x2800  }
0x83: {  	s0 =	sadd.s32 $0x1, s0;
	s14 =	rddreg [dreg:$0x8]  }
0x84: {  	p0 =	sne.s32 s0, s14  }
.Ltmp1:
0x85: {  	_ = 	snop;
	(pc) =	sbr.rel @p0 .LBB2_1-.Ltmp1, $3  }
0x86: {  	_ =	sdelay $0x1  }
0x87: {  	[sflag:s16] =	ssyncset.done $0x0  }
0x88: {  	[sflag:s16] =	ssyncadd.s32 $0xFFFFD800  }
0x89: {  	_ =	sfence.sel $0x180000  }
0x8a: {  	[bflag:$0x0] =	sbarrier.arrive $0xFFFF  }
0x8b: {  	_ =	strace $0x9000004D  }
0x8c: {  	s0 =	stileid.u32;
	[bflag:$0x2] =	sbarrier.arrive $0xFFFF  }
0x8d: {  	p0 =	sne.s32 s0, $0x0;
	s0 =	rddreg [dreg:$0x3]  }
0x8e: {  	s0 =	sadd.s32 @!p0 $0x100000, s0  }
0x8f: {  	[sflag:s0] =	ssyncadd.tile.s32 @!p0 $0x1;
	_ =	shalt  }
.Lfunc_end2:
_tile_overlayer_lowered:
.L_overlay_start_2:
0x90: {  	(tag) =	ssettag $0x2  }
0x91: {  	s0 =	rddreg [dreg:$0x0];
	s2 =	stileid.u32  }
0x92: {  	s1 =	rddreg [dreg:$0x1];
	p0 =	sne.s32 s2, $0x0  }
0x93: {  	s3 =	rddreg [dreg:$0x2];
	[bflag:$0x3] =	sbarrier.arrive $0xFFFF;
	s2 =	simm.s32 @!p0 $0x1C06  }
0x94: {  	[timem:s3], [sflag:s2] =	dma.local @!p0 [hbm:s0], s1  }
0x95: {  	s0 =	simm.s32 @!p0 $0x6  }
0x96: {  	_ =	swait.ge @!p0 [sflag:s0], s1  }
0x97: {  	s1 =	ssub.s32 @!p0 $0x0, s1;
	[sflag:s0] =	ssyncset.done @!p0 $0x0  }
0x98: {  	[sflag:s0] =	ssyncadd.s32 @!p0 s1  }
0x99: {  	[bflag:$0x3] =	sbarrier.arrive $0xFFFF  }
0x9a: {  	_ =	shalt  }

// kernel: kernel.21.cloned.1.call-start
scs
__scs_entry_jumppad:
0x0: {  	(pc) =	sbr.rel $0x88, $3  }
0x1: {  	(tag) =	ssettag $0x0;
	lr =	simm.s32 $0x1  }
0x2: {  	[smem:$0x3F99] =	sst lr;
	_ =	strace $0xD0000000  }
0x3: {  	_ = 	snop  }
0x4: {  	_ = 	snop  }
0x5: {  	_ = 	snop  }
0x6: {  	_ = 	snop  }
0x7: {  	_ = 	snop  }
__scs_overlays_trampoline_lowered:
0x8: {  	[smem:$0x3FA8] =	sst s0  }
0x9: {  	[smem:$0x3FA9] =	sst s1  }
0xa: {  	[smem:$0x3FAA] =	sst s2  }
0xb: {  	[smem:$0x3FAB] =	sst s3  }
0xc: {  	[smem:$0x3FAC] =	sst s4  }
0xd: {  	[smem:$0x3FAD] =	sst s5  }
0xe: {  	[smem:$0x3FAE] =	sst s6  }
0xf: {  	[smem:$0x3FAF] =	sst s7  }
0x10: {  	[smem:$0x3FB0] =	sst s8  }
0x11: {  	[smem:$0x3FB1] =	sst s9;
	s0 =	simm.s32 @!p0 $0x0  }
0x12: {  	s1 =	sld [smem:$0x3F97];
	s0 =	simm.s32 @p0 $0x1  }
0x13: {  	[smem:$0x3FB2] =	sst s0;
	s0 =	simm.s32 @!p1 $0x0  }
0x14: {  	s2 =	sld [smem:$0x3F96];
	s0 =	simm.s32 @p1 $0x1  }
0x15: {  	[smem:$0x3FB3] =	sst s0;
	s0 =	simm.s32 @!p2 $0x0  }
0x16: {  	s3 =	sld [smem:$0x3FDB];
	s0 =	simm.s32 @p2 $0x1  }
0x17: {  	s4 =	simm.s32 $0x1BF5;
	[smem:$0x3FB5] =	sst s0  }
0x18: {  	s0 =	sld [smem:$0x3F98];
	_ =	swait.ge [sflag:s4], $0x0  }
0x19: {  	s7 =	sld [smem:$0x3F99]  }
0x1a: {  	s8 =	sadd.s32 $0xFFFFE003, lr  }
0x1b: {  	s9 =	sadd.s32 $0xFFFFFEF7, lr;
	s5 =	simm.s32 $0xFFFFFFFF;
	p2 =	slt.u32 s8, $0xFFFFF086  }
0x1c: {  	p1 =	slt.u32 s9, $0xF7A;
	s5 =	simm.s32 @!p2 $0x0  }
0x1d: {  	s5 =	simm.s32 @p1 $0x1;
	p0 =	seq.s32 s7, s2  }
0x1e: {  	s7 =	smul.u32 @!p0 $0xF7A, s2;
	p2 =	seq.s32 @!p0 s5, $0x0  }
0x1f: {  	s9 =	smul.u32 $0xF7A, s1;
	s8 =	simm.s32 @!p0 $0x1BF5;
	p2 =	por !p2, p0  }
0x20: {  	[sflag:s8] =	ssyncset.s32 @!p0 $0xFFFFF086;
	s6 =	sadd.s32 @!p0 s3, s7;
	s7 =	simm.s32 @!p0 $0x108  }
0x21: {  	s3 =	sadd.s32 s3, s9;
	s6 =	sadd.s32 @!p0 $0x88, s6;
	s7 =	simm.s32 @p2 $0x1082  }
0x22: {  	[simem:s7], [sflag:s8] =	dma.local @!p0 [hbm:s6], $0xF7A  }
0x23: {  	s9 =	sor.u32 $0xD0000000, s2;
	s6 =	simm.s32 $0x108;
	_ =	swait.ge @!p0 [sflag:s8], $0x0  }
0x24: {  	s3 =	sadd.s32 $0x88, s3;
	s6 =	simm.s32 @!p1 $0x1082;
	[sflag:s4] =	ssyncset.s32 $0xFFFFF086  }
0x25: {  	[simem:s6], [sflag:s4] =	dma.local [hbm:s3], $0xF7A  }
0x26: {  	[smem:$0x3F99] =	sst s1;
	(tag) =	ssettag s2;
	_ =	strace s9  }
0x27: {  	s1 =	sld [smem:$0x3FA9]  }
0x28: {  	s2 =	sld [smem:$0x3FAA]  }
0x29: {  	s4 =	sld [smem:$0x3FAC]  }
0x2a: {  	p0 =	seq.s32 s5, $0x0;
	s5 =	sld [smem:$0x3FAD]  }
0x2b: {  	s6 =	sld [smem:$0x3FAE]  }
0x2c: {  	s7 =	sld [smem:$0x3FAF]  }
0x2d: {  	s3 =	simm.s32 $0x108;
	s8 =	sld [smem:$0x3FB0]  }
0x2e: {  	s3 =	simm.s32 @!p0 $0x1082;
	s9 =	sld [smem:$0x3FB1]  }
0x2f: {  	lr =	sadd.s32 s0, s3;
	s0 =	sld [smem:$0x3FA8]  }
0x30: {  	s3 =	sld [smem:$0x3FAB]  }
0x31: {  	[smem:$0x3FB4] =	sst s10  }
0x32: {  	s10 =	sld [smem:$0x3FB2];
	_ =	sdelay $0x3  }
0x33: {  	p0 =	seq.s32 s10, $0x1;
	s10 =	sld [smem:$0x3FB4];
	_ =	sdelay $0x3  }
0x34: {  	[smem:$0x3FB4] =	sst s10  }
0x35: {  	s10 =	sld [smem:$0x3FB3];
	_ =	sdelay $0x3  }
0x36: {  	p1 =	seq.s32 s10, $0x1;
	s10 =	sld [smem:$0x3FB4];
	_ =	sdelay $0x3  }
0x37: {  	[smem:$0x3FB4] =	sst s10  }
0x38: {  	s10 =	sld [smem:$0x3FB5]  }
0x39: {  	_ = 	snop;
	(pc) =	sbr.ind lr, $3  }
0x3a: {  	_ = 	snop  }
0x3b: {  	_ = 	snop  }
0x3c: {  	p2 =	seq.s32 s10, $0x1;
	s10 =	sld [smem:$0x3FB4]  }
0x3d: {  	_ =	shalt  }
0x3e: {  	_ =	shalt  }
0x3f: {  	_ =	shalt  }
0x40: {  	_ =	shalt  }
0x41: {  	_ =	shalt  }
0x42: {  	_ =	shalt  }
0x43: {  	_ =	shalt  }
0x44: {  	_ =	shalt  }
0x45: {  	_ =	shalt  }
0x46: {  	_ =	shalt  }
0x47: {  	_ =	shalt  }
0x48: {  	_ =	shalt  }
0x49: {  	_ =	shalt  }
0x4a: {  	_ =	shalt  }
0x4b: {  	_ =	shalt  }
0x4c: {  	_ =	shalt  }
0x4d: {  	_ =	shalt  }
0x4e: {  	_ =	shalt  }
0x4f: {  	_ =	shalt  }
0x50: {  	_ =	shalt  }
0x51: {  	_ =	shalt  }
0x52: {  	_ =	shalt  }
0x53: {  	_ =	shalt  }
0x54: {  	_ =	shalt  }
0x55: {  	_ =	shalt  }
0x56: {  	_ =	shalt  }
0x57: {  	_ =	shalt  }
0x58: {  	_ =	shalt  }
0x59: {  	_ =	shalt  }
0x5a: {  	_ =	shalt  }
0x5b: {  	_ =	shalt  }
0x5c: {  	_ =	shalt  }
0x5d: {  	_ =	shalt  }
0x5e: {  	_ =	shalt  }
0x5f: {  	_ =	shalt  }
0x60: {  	_ =	shalt  }
0x61: {  	_ =	shalt  }
0x62: {  	_ =	shalt  }
0x63: {  	_ =	shalt  }
0x64: {  	_ =	shalt  }
0x65: {  	_ =	shalt  }
0x66: {  	_ =	shalt  }
0x67: {  	_ =	shalt  }
0x68: {  	_ =	shalt  }
0x69: {  	_ =	shalt  }
0x6a: {  	_ =	shalt  }
0x6b: {  	_ =	shalt  }
0x6c: {  	_ =	shalt  }
0x6d: {  	_ =	shalt  }
0x6e: {  	_ =	shalt  }
0x6f: {  	_ =	shalt  }
0x70: {  	_ =	shalt  }
0x71: {  	_ =	shalt  }
0x72: {  	_ =	shalt  }
0x73: {  	_ =	shalt  }
0x74: {  	_ =	shalt  }
0x75: {  	_ =	shalt  }
0x76: {  	_ =	shalt  }
0x77: {  	_ =	shalt  }
0x78: {  	_ =	shalt  }
0x79: {  	_ =	shalt  }
0x7a: {  	_ =	shalt  }
0x7b: {  	_ =	shalt  }
0x7c: {  	_ =	shalt  }
0x7d: {  	_ =	shalt  }
0x7e: {  	_ =	shalt  }
0x7f: {  	_ =	shalt  }
0x80: {  	_ =	shalt  }
0x81: {  	_ =	shalt  }
0x82: {  	_ =	shalt  }
0x83: {  	_ =	shalt  }
0x84: {  	_ =	shalt  }
0x85: {  	_ =	shalt  }
0x86: {  	_ =	shalt  }
0x87: {  	_ =	shalt  }
.Lfunc_end0:
.L_simem_size_0:
called_computation.3_lowered:
.L_overlay_start_0:
0x88: {  	s2 =	sld [smem:$0x3FD9]  }
0x89: {  	s3 =	sld [smem:$0x3FFE];
	_ =	sdelay $0x1  }
0x8a: {  	s1 =	srdreg.scid  }
0x8b: {  	s0 =	sand.u32 $0x1, s1  }
0x8c: {  	s17 =	sshll.u32 s0, $0xA;
	s2 =	sadd.s32 s3, s2  }
0x8d: {  	s2 =	sadd.s32 s2, s17  }
0x8e: {  	[smem:$0x3FC0] =	sst s2  }
0x8f: {  	_ = 	snop  }
0x90: {  	s2 =	sld [smem:$0x3FD0];
	(tm) =	ssettm $0x1  }
0x91: {  	s18 =	sld [smem:$0x3FFB];
	_ =	sdelay $0x3  }
0x92: {  	_ =	strace s18  }
0x93: {  	s3 =	sld [smem:$0x3FFC];
	_ =	sdelay $0x3  }
0x94: {  	_ =	strace s3  }
0x95: {  	s3 =	sld [smem:$0x3FFD];
	_ =	sdelay $0x3  }
0x96: {  	_ =	strace s3  }
0x97: {  	_ =	strace $0x8FFFFFFF  }
0x98: {  	s19 =	sld [smem:$0x3FDB];
	_ =	sdelay $0x1  }
0x99: {  	s4 =	simm.s32 $_scs_section_size  }
0x9a: {  	s5 =	simm.s32 $_size__tile_overlayer_lowered;
	s6 =	simm.s32 $_tile_overlayer_lowered  }
0x9b: {  	s22 =	simm.s32 $0x1BFF;
	s21 =	sshll.u32 s6, $0x1;
	s3 =	sadd.s32 s4, s19  }
0x9c: {  	s7 =	simm.s32 $0x0;
	s20 =	sshll.u32 s5, $0x1;
	s5 =	sadd.s32 s21, s3  }
0x9d: {  	[timem:s7], [sflag:s22] =	dma.local [hbm:s5], s20  }
0x9e: {  	_ =	swait.ge [sflag:s22], s20  }
0x9f: {  	s4 =	ssub.s32 $0x0, s20;
	[sflag:s22] =	ssyncset.done $0x0  }
0xa0: {  	[sflag:s22] =	ssyncadd.s32 s4;
	_ =	sdelay $0x1  }
0xa1: {  	s23 =	simm.s32 $0x1B8B  }
0xa2: {  	_ =	swait.ge [sflag:s23], $0x1  }
0xa3: {  	[sflag:s23] =	ssyncset.done $0x0  }
0xa4: {  	s25 =	simm.s32 $0x1B8E;
	s24 =	sld [smem:$0x3FFE];
	[sflag:s23] =	ssyncadd.s32 $0xFFFFFFFF  }
0xa5: {  	s26 =	simm.s32 $execute0_lowered;
	[smem:$0x3FD2] =	sst s25  }
0xa6: {  	s5 =	sshll.u32 s26, $0x1;
	_ =	strace $0x8000004F;
	[dreg:$0x1] =	wrdreg $0xFFFFFFFF  }
0xa7: {  	s28 =	simm.s32 $_size_execute0_lowered;
	s3 =	sadd.s32 s3, s5;
	[dreg:$0x0] =	wrdreg $0x0  }
0xa8: {  	s5 =	sshll.u32 s28, $0x1;
	[dreg:$0x2] =	wrdreg s3  }
0xa9: {  	[dreg:$0x3] =	wrdreg s5  }
0xaa: {  	[dreg:$0x4] =	wrdreg $0xC0  }
0xab: {  	_ =	task [dreg:s7], $0x5FFFF  }
0xac: {  	[dreg:$0x1] =	wrdreg $0xFFFFFFFF  }
0xad: {  	[dreg:$0x0] =	wrdreg $0x60  }
0xae: {  	[dreg:$0x2] =	wrdreg s24  }
0xaf: {  	[dreg:$0x3] =	wrdreg s2  }
0xb0: {  	[dreg:$0x4] =	wrdreg $0x0  }
0xb1: {  	[dreg:$0x5] =	wrdreg $0x9  }
0xb2: {  	_ =	task.clear_ibuf [dreg:s7], $0x6FFFF;
	_ =	strace $0x9000004F  }
0xb3: {  	s29 =	simm.s32 $0x9;
	_ =	strace $0x80000051  }
0xb4: {  	_ =	swait.ge [sflag:s29], $0x1  }
0xb5: {  	[sflag:s29] =	ssyncadd.s32 $0xFFFFFFFF  }
0xb6: {  	_ =	strace $0x90000051  }
0xb7: {  	_ =	sfence  }
0xb8: {  	s30 =	sld [smem:$0x0];
	_ =	sdelay $0x2  }
0xb9: {  	s31 =	sshll.u32 s1, $0xD;
	s1 =	sshrl.u32 s1, $0x2  }
0xba: {  	s3 =	sand.u32 $0x4000, s31;
	s1 =	sadd.s32 s1, s30  }
0xbb: {  	s0 =	sor.u32 s3, s0;
	s1 =	sshll.u32 s1, $0x11  }
0xbc: {  	s0 =	sor.u32 s1, s0  }
0xbd: {  	s0 =	sadd.s32 $0x8F2B, s0  }
0xbe: {  	[sflag:s0] =	ssyncadd.remote.s32 $0x1  }
0xbf: {  	_ =	sfence.sel $0xFFFF  }
0xc0: {  	[dreg:$0x0] =	wrdreg $0xFFFFFFFF;
	(pc) =	sbr.abs _section_cstart, $3  }
0xc1: {  	[dreg:$0x1] =	wrdreg $0xFFFFFFFF  }
0xc2: {  	_ =	task.clear_ibuf [dreg:s7], $0x2FFFF;
	_ =	strace $0x9FFFFFFF  }
0xc3: {  	(tm) =	ssettm $0x7FFFFFFF  }
tec
execute0_lowered:
.L_overlay_start_1:
0x0: {  	(tag) =	ssettag $0x1  }
0x1: {  	s1 =	rddreg [dreg:$0x0]  }
0x2: {  	s0 =	srdreg.scid;
	s2 =	rddreg [dreg:$0x1]  }
0x3: {  	s14 =	stileid.u32;
	s3 =	rddreg [dreg:$0x2];
	s15 =	simm.s32 $0x14000  }
0x4: {  	s16 =	simm.s32 $0x6;
	s28 =	simm.s32 $0x16800;
	s6 =	smul.u32 $0x14000, s14  }
0x5: {  	s29 =	simm.s32 $0x1;
	s30 =	simm.s32 $0x3;
	s19 =	smul.u32 $0x50000, s14  }
0x6: {  	s31 =	simm.s32 $0x2;
	s0 =	sand.u32 $0x1, s0;
	s12 =	smul.u32 $0x2710, s14  }
0x7: {  	s26 =	sshll.u32 s14, $0x6;
	s4 =	sshll.u32 s0, $0x4;
	s8 =	smul.u32 $0x140000, s0  }
0x8: {  	s11 =	ssub.s32 $0x2, s0;
	s0 =	smul.u32 $0x27100, s0;
	s17 =	sor.u32 $0x1C06, s26  }
0x9: {  	s26 =	simm.s32 $0x1A900;
	s5 =	sor.u32 s14, s4;
	s4 =	simm.s32 $0x0  }
0xa: {  	s10 =	sshrl.u32 s6, $0x3;
	s20 =	sshrl.u32 s11, $0x1;
	s5 =	smul.u32 $0x2710, s5  }
0xb: {  	[smem:$0x7FF] =	sst s4;
	s10 =	sadd.s32 s10, s1;
	s6 =	sadd.s32 s6, s8  }
0xc: {  	s8 =	sshrl.u32 s19, $0x2;
	s0 =	sadd.s32 s12, s0;
	s19 =	simm.s32 $0x80  }
0xd: {  	_ =	strace $0x80000050;
	s6 =	sshrl.u32 s6, $0x3;
	s8 =	sadd.s32 s8, s3  }
0xe: {  	s21 =	sadd.s32 $0xE200, s10;
	s23 =	sadd.s32 $0x80, s0;
	s7 =	sshrl.u32 s5, $0x3  }
0xf: {  	s5 =	sadd.s32 $0x36200, s1;
	[dreg:$0x5] =	wrdreg s21;
	s25 =	sshrl.u32 s23, $0x3  }
0x10: {  	s18 =	sshrl.u32 s8, $0x3;
	s21 =	simm.s32 $0x16780;
	s23 =	simm.s32 $0x5  }
0x11: {  	s9 =	sadd.s32 s7, s1;
	s1 =	sadd.s32 s6, s1;
	s6 =	ssub.s32 s11, s20  }
0x12: {  	s7 =	sadd.s32 s2, s7;
	s13 =	sadd.s32 s25, s2;
	s9 =	sadd.s32 $0x3C00, s9  }
0x13: {  	s20 =	simm.s32 $0x16900;
	s22 =	sadd.s32 $0x4E0, s7;
	[dreg:$0x4] =	wrdreg s9  }
0x14: {  	s25 =	simm.s32 $0x16880;
	s1 =	sadd.s32 $0x5E200, s1;
	[dreg:$0x6] =	wrdreg s22  }
0x15: {  	s24 =	smax.u32 s6, $0x1;
	s12 =	sadd.s32 $0x4D0, s7;
	[dreg:$0x7] =	wrdreg s1  }
0x16: {  	[dreg:$0x8] =	wrdreg s24;
	s9 =	sadd.s32 $0x100, s0;
	s22 =	simm.s32 $0x10  }
0x17: {  	s24 =	simm.s32 $0x1E900;
	s1 =	simm.s32 $0x4;
	s0 =	simm.s32 $0x0  }
.LBB2_1:
0x18: {  	s6 =	rddreg [dreg:$0x4]  }
0x19: {  	[tilespmem:s15], [sflag:$0x6] =	stream.linear.gather [hbm4b:s6+s4], $0x2710, $0x38;
	[tilespmem:$0x1F100] =	vst v63  }
0x1a: {  	_ =	swait.ge [sflag:s16], $0x2710  }
0x1b: {  	[sflag:s16] =	ssyncset.done $0x0  }
0x1c: {  	s14 =	rddreg [dreg:$0x5];
	[sflag:s16] =	ssyncadd.s32 $0xFFFFD8F0  }
0x1d: {  	[spmem:s18], [sflag:s17] =	dma.local [hbm:s14], $0x2800  }
0x1e: {  	_ =	swait.ge [sflag:s16], $0x2800  }
0x1f: {  	[sflag:s16] =	ssyncset.done $0x0  }
0x20: {  	[sflag:s16] =	ssyncadd.s32 $0xFFFFD800  }
0x21: {  	[bflag:$0x0] =	sbarrier.arrive $0xFFFF  }
0x22: {  	[tilespmem:s20], [sflag:$0x1] =	stream.indirect.gather [hbm4b:s5+s19], $0x80, s15, s19, $0xb8;
	[tilespmem:$0x1F100] =	vst v63  }
0x23: {  	_ = 	snop  }
0x24: {  	[tilespmem:s21], [sflag:$0x3] =	stream.linear.gather [hbm4b:s7+s4], $0x80, $0x38;
	[tilespmem:$0x1F100] =	vst v63  }
0x25: {  	s8 =	simm.s32 $0x16700  }
0x26: {  	[tilespmem:s24], [sflag:$0x5] =	stream.indirect.gather [hbm4b:s5+s22], $0x80, s8, s22, $0xb8;
	[tilespmem:$0x1F100] =	vst v63  }
0x27: {  	s10 =	rddreg [dreg:$0x6]  }
0x28: {  	[tilespmem:s25], [sflag:$0x5] =	stream.linear.gather [hbm4b:s10+s4], $0x10, $0x38;
	[tilespmem:$0x1F100] =	vst v63  }
0x29: {  	s6 =	simm.s32 $0x14080  }
0x2a: {  	[tilespmem:s26], [sflag:$0x2] =	stream.indirect.gather [hbm4b:s5+s19], $0x80, s6, s19, $0xb8;
	[tilespmem:$0x1F100] =	vst v63  }
0x2b: {  	s8 =	sadd.s32 $0x0, s13  }
0x2c: {  	[tilespmem:s28], [sflag:$0x4] =	stream.linear.gather [hbm4b:s8+s4], $0x80, $0x38;
	[tilespmem:$0x1F100] =	vst v63  }
0x2d: {  	_ =	swait.ge [sflag:s29], $0x4000  }
0x2e: {  	[sflag:s29] =	ssyncset.done $0x0  }
0x2f: {  	[sflag:s29] =	ssyncadd.s32 $0xFFFFC000  }
0x30: {  	_ =	swait.ge [sflag:s30], $0x80  }
0x31: {  	[sflag:s30] =	ssyncset.done $0x0  }
0x32: {  	[sflag:s30] =	ssyncadd.s32 $0xFFFFFF80  }
0x33: {  	[spmem:s3] =	stream.indirect.scatter.add.f32 [tilespmem:s20], [sflag:$0x6], $0x80, s21, s19, $0xb8;
	[tilespmem:$0x1F100] =	vst v63  }
0x34: {  	_ =	swait.ge [sflag:s16], $0x4000  }
0x35: {  	[sflag:s16] =	ssyncset.done $0x0  }
0x36: {  	s11 =	simm.s32 $0x14100;
	s14 =	sshrl.u32 s9, $0x3;
	[sflag:s16] =	ssyncadd.s32 $0xFFFFC000  }
0x37: {  	[tilespmem:s20], [sflag:$0x1] =	stream.indirect.gather [hbm4b:s5+s19], $0x80, s11, s19, $0xb8;
	[tilespmem:$0x1F100] =	vst v63  }
0x38: {  	s14 =	sadd.s32 s2, s14  }
0x39: {  	[tilespmem:s21], [sflag:$0x3] =	stream.linear.gather [hbm4b:s14+s4], $0x80, $0x38;
	[tilespmem:$0x1F100] =	vst v63  }
0x3a: {  	_ =	swait.ge [sflag:s31], $0x4000  }
0x3b: {  	[sflag:s31] =	ssyncset.done $0x0  }
0x3c: {  	[sflag:s31] =	ssyncadd.s32 $0xFFFFC000  }
0x3d: {  	_ =	swait.ge [sflag:s1], $0x80  }
0x3e: {  	[sflag:s1] =	ssyncset.done $0x0  }
0x3f: {  	[sflag:s1] =	ssyncadd.s32 $0xFFFFFF80  }
0x40: {  	[spmem:s3] =	stream.indirect.scatter.add.f32 [tilespmem:s26], [sflag:$0x6], $0x80, s28, s19, $0xb8;
	[tilespmem:$0x1F100] =	vst v63  }
0x41: {  	_ =	swait.ge [sflag:s16], $0x4000  }
0x42: {  	s8 =	simm.s32 $0x20;
	s14 =	smov.u32 s9;
	[sflag:s16] =	ssyncset.done $0x0  }
.LBB2_2:
0x43: {  	[sflag:s16] =	ssyncadd.s32 $0xFFFFC000;
	s6 =	sadd.s32 $0x100, s6;
	s14 =	sadd.s32 $0x100, s14  }
0x44: {  	[tilespmem:s26], [sflag:$0x2] =	stream.indirect.gather [hbm4b:s5+s19], $0x80, s6, s19, $0xb8;
	[tilespmem:$0x1F100] =	vst v63  }
0x45: {  	s10 =	sadd.s32 s8, s13;
	p0 =	sne.s32 s8, $0x4A0;
	s8 =	sadd.s32 $0x20, s8  }
0x46: {  	[tilespmem:s28], [sflag:$0x4] =	stream.linear.gather [hbm4b:s10+s4], $0x80, $0x38;
	[tilespmem:$0x1F100] =	vst v63  }
0x47: {  	_ =	swait.ge [sflag:s29], $0x4000  }
0x48: {  	[sflag:s29] =	ssyncset.done $0x0  }
0x49: {  	[sflag:s29] =	ssyncadd.s32 $0xFFFFC000  }
0x4a: {  	_ =	swait.ge [sflag:s30], $0x80  }
0x4b: {  	[sflag:s30] =	ssyncset.done $0x0  }
0x4c: {  	[sflag:s30] =	ssyncadd.s32 $0xFFFFFF80  }
0x4d: {  	[spmem:s3] =	stream.indirect.scatter.add.f32 [tilespmem:s20], [sflag:$0x6], $0x80, s21, s19, $0xb8;
	[tilespmem:$0x1F100] =	vst v63  }
0x4e: {  	_ =	swait.ge [sflag:s16], $0x4000  }
0x4f: {  	[sflag:s16] =	ssyncset.done $0x0  }
0x50: {  	s11 =	sshrl.u32 s14, $0x3;
	s10 =	sadd.s32 $0x80, s6;
	[sflag:s16] =	ssyncadd.s32 $0xFFFFC000  }
0x51: {  	[tilespmem:s20], [sflag:$0x1] =	stream.indirect.gather [hbm4b:s5+s19], $0x80, s10, s19, $0xb8;
	[tilespmem:$0x1F100] =	vst v63  }
0x52: {  	s10 =	sadd.s32 s2, s11  }
0x53: {  	[tilespmem:s21], [sflag:$0x3] =	stream.linear.gather [hbm4b:s10+s4], $0x80, $0x38;
	[tilespmem:$0x1F100] =	vst v63  }
0x54: {  	_ =	swait.ge [sflag:s31], $0x4000  }
0x55: {  	[sflag:s31] =	ssyncset.done $0x0  }
0x56: {  	[sflag:s31] =	ssyncadd.s32 $0xFFFFC000  }
0x57: {  	_ =	swait.ge [sflag:s1], $0x80  }
.Ltmp0:
0x58: {  	[sflag:s1] =	ssyncset.done $0x0;
	(pc) =	sbr.rel @p0 .LBB2_2-.Ltmp0, $4  }
0x59: {  	[sflag:s1] =	ssyncadd.s32 $0xFFFFFF80  }
0x5a: {  	[spmem:s3] =	stream.indirect.scatter.add.f32 [tilespmem:s26], [sflag:$0x6], $0x80, s28, s19, $0xb8;
	[tilespmem:$0x1F100] =	vst v63  }
0x5b: {  	_ =	swait.ge [sflag:s16], $0x4000  }
0x5c: {  	[sflag:s16] =	ssyncset.done $0x0  }
0x5d: {  	[sflag:s16] =	ssyncadd.s32 $0xFFFFC000;
	s6 =	simm.s32 $0x16680  }
0x5e: {  	[tilespmem:s26], [sflag:$0x2] =	stream.indirect.gather [hbm4b:s5+s19], $0x80, s6, s19, $0xb8;
	[tilespmem:$0x1F100] =	vst v63  }
0x5f: {  	_ = 	snop  }
0x60: {  	[tilespmem:s28], [sflag:$0x4] =	stream.linear.gather [hbm4b:s12+s4], $0x80, $0x38;
	[tilespmem:$0x1F100] =	vst v63  }
0x61: {  	_ =	swait.ge [sflag:s29], $0x4000  }
0x62: {  	[sflag:s29] =	ssyncset.done $0x0  }
0x63: {  	[sflag:s29] =	ssyncadd.s32 $0xFFFFC000  }
0x64: {  	_ =	swait.ge [sflag:s30], $0x80  }
0x65: {  	[sflag:s30] =	ssyncset.done $0x0  }
0x66: {  	[sflag:s30] =	ssyncadd.s32 $0xFFFFFF80  }
0x67: {  	[spmem:s3] =	stream.indirect.scatter.add.f32 [tilespmem:s20], [sflag:$0x6], $0x80, s21, s19, $0xb8;
	[tilespmem:$0x1F100] =	vst v63  }
0x68: {  	_ =	swait.ge [sflag:s16], $0x4000  }
0x69: {  	[sflag:s16] =	ssyncset.done $0x0  }
0x6a: {  	[sflag:s16] =	ssyncadd.s32 $0xFFFFC000  }
0x6b: {  	_ =	swait.ge [sflag:s31], $0x4000  }
0x6c: {  	[sflag:s31] =	ssyncset.done $0x0  }
0x6d: {  	[sflag:s31] =	ssyncadd.s32 $0xFFFFC000  }
0x6e: {  	_ =	swait.ge [sflag:s1], $0x80  }
0x6f: {  	[sflag:s1] =	ssyncset.done $0x0  }
0x70: {  	[sflag:s1] =	ssyncadd.s32 $0xFFFFFF80  }
0x71: {  	[spmem:s3] =	stream.indirect.scatter.add.f32 [tilespmem:s26], [sflag:$0x6], $0x80, s28, s19, $0xb8;
	[tilespmem:$0x1F100] =	vst v63  }
0x72: {  	_ =	swait.ge [sflag:s16], $0x4000  }
0x73: {  	[sflag:s16] =	ssyncset.done $0x0  }
0x74: {  	[sflag:s16] =	ssyncadd.s32 $0xFFFFC000  }
0x75: {  	_ =	swait.ge [sflag:s23], $0x800  }
0x76: {  	[sflag:s23] =	ssyncset.done $0x0  }
0x77: {  	[sflag:s23] =	ssyncadd.s32 $0xFFFFF800  }
0x78: {  	_ =	swait.ge [sflag:s23], $0x10  }
0x79: {  	[sflag:s23] =	ssyncset.done $0x0  }
0x7a: {  	[sflag:s23] =	ssyncadd.s32 $0xFFFFFFF0  }
0x7b: {  	[spmem:s3] =	stream.indirect.scatter.add.f32 [tilespmem:s24], [sflag:$0x6], $0x80, s25, s22, $0xb8;
	[tilespmem:$0x1F100] =	vst v63  }
0x7c: {  	_ =	swait.ge [sflag:s16], $0x800  }
0x7d: {  	[sflag:s16] =	ssyncset.done $0x0  }
0x7e: {  	[sflag:s16] =	ssyncadd.s32 $0xFFFFF800  }
0x7f: {  	[bflag:$0x0] =	sbarrier.arrive $0xFFFF  }
0x80: {  	s11 =	rddreg [dreg:$0x7]  }
0x81: {  	[hbm:s11], [sflag:s17] =	dma.local [spmem:s18], $0x2800  }
0x82: {  	_ =	swait.ge [sflag:s16], $0x2800  }
0x83: {  	s0 =	sadd.s32 $0x1, s0;
	s14 =	rddreg [dreg:$0x8]  }
0x84: {  	p0 =	sne.s32 s0, s14  }
.Ltmp1:
0x85: {  	_ = 	snop;
	(pc) =	sbr.rel @p0 .LBB2_1-.Ltmp1, $3  }
0x86: {  	_ =	sdelay $0x1  }
0x87: {  	[sflag:s16] =	ssyncset.done $0x0  }
0x88: {  	[sflag:s16] =	ssyncadd.s32 $0xFFFFD800  }
0x89: {  	_ =	sfence.sel $0x180000  }
0x8a: {  	[bflag:$0x0] =	sbarrier.arrive $0xFFFF  }
0x8b: {  	_ =	strace $0x90000050  }
0x8c: {  	s0 =	stileid.u32;
	[bflag:$0x2] =	sbarrier.arrive $0xFFFF  }
0x8d: {  	p0 =	sne.s32 s0, $0x0;
	s0 =	rddreg [dreg:$0x3]  }
0x8e: {  	s0 =	sadd.s32 @!p0 $0x100000, s0  }
0x8f: {  	[sflag:s0] =	ssyncadd.tile.s32 @!p0 $0x1;
	_ =	shalt  }
.Lfunc_end2:
_tile_overlayer_lowered:
.L_overlay_start_2:
0x90: {  	(tag) =	ssettag $0x2  }
0x91: {  	s0 =	rddreg [dreg:$0x0];
	s2 =	stileid.u32  }
0x92: {  	s1 =	rddreg [dreg:$0x1];
	p0 =	sne.s32 s2, $0x0  }
0x93: {  	s3 =	rddreg [dreg:$0x2];
	[bflag:$0x3] =	sbarrier.arrive $0xFFFF;
	s2 =	simm.s32 @!p0 $0x1C06  }
0x94: {  	[timem:s3], [sflag:s2] =	dma.local @!p0 [hbm:s0], s1  }
0x95: {  	s0 =	simm.s32 @!p0 $0x6  }
0x96: {  	_ =	swait.ge @!p0 [sflag:s0], s1  }
0x97: {  	s1 =	ssub.s32 @!p0 $0x0, s1;
	[sflag:s0] =	ssyncset.done @!p0 $0x0  }
0x98: {  	[sflag:s0] =	ssyncadd.s32 @!p0 s1  }
0x99: {  	[bflag:$0x3] =	sbarrier.arrive $0xFFFF  }
0x9a: {  	_ =	shalt  }

</sc_bundles>
